<compile_context>
chip_gen: v7x
topology: tpu7x:2x2x1
jax: 0.10.2.dev20260603
libtpu: 0.0.44.dev20260713+nightly
codegen_flags: <defaults>
</compile_context>

<pallas_src>
import functools

import jax
import jax.numpy as jnp
from jax import lax
from jax.experimental import pallas as pl
from jax.experimental.pallas import tpu as pltpu
from jax.experimental.pallas import tpu_sc as plsc

_NC = 2
_NS = 16
_NW = _NC * _NS
_NBUF = 2


def _gather_kernel(idx_hbm, table_hbm, out_hbm, idx_v, bufs, sem_g, sem_w):
    b_per_w, hist = idx_v.shape
    nr = b_per_w // _NBUF
    wid = lax.axis_index("s") * _NC + lax.axis_index("c")
    b0 = wid * b_per_w
    pltpu.sync_copy(idx_hbm.at[pl.ds(b0, b_per_w)], idx_v)

    def idx_slice(t):
        return idx_v.at[t]

    def out_slice(t):
        return out_hbm.at[b0 + t]

    def fire_g(slot, t):
        pltpu.async_copy(table_hbm.at[idx_slice(t)], bufs.at[slot], sem_g.at[slot])

    def wait_g(slot, t):
        pltpu.make_async_copy(
            table_hbm.at[idx_slice(t)], bufs.at[slot], sem_g.at[slot]
        ).wait()

    def fire_w(slot, t):
        pltpu.async_copy(bufs.at[slot], out_slice(t), sem_w.at[slot])

    def wait_w(slot, t):
        pltpu.make_async_copy(bufs.at[slot], out_slice(t), sem_w.at[slot]).wait()

    for b in range(_NBUF):
        fire_g(b, b)
    for b in range(_NBUF):
        wait_g(b, b)
        fire_w(b, b)
    for b in range(_NBUF):
        fire_g(_NBUF + b, _NBUF + b)

    @pl.loop(1, nr - 1, step=2)
    def _steady(r):
        for b in range(_NBUF):
            wait_g(_NBUF + b, r * _NBUF + b)
            fire_w(_NBUF + b, r * _NBUF + b)
        for b in range(_NBUF):
            wait_w(b, (r - 1) * _NBUF + b)
            fire_g(b, (r + 1) * _NBUF + b)
        for b in range(_NBUF):
            wait_g(b, (r + 1) * _NBUF + b)
            fire_w(b, (r + 1) * _NBUF + b)
        for b in range(_NBUF):
            wait_w(_NBUF + b, r * _NBUF + b)
            fire_g(_NBUF + b, (r + 2) * _NBUF + b)

    for b in range(_NBUF):
        wait_g(_NBUF + b, (nr - 1) * _NBUF + b)
        fire_w(_NBUF + b, (nr - 1) * _NBUF + b)
    for b in range(_NBUF):
        wait_w(b, (nr - 2) * _NBUF + b)
    for b in range(_NBUF):
        wait_w(_NBUF + b, (nr - 1) * _NBUF + b)


def kernel(input, table):
    batch, hist = input.shape
    _, embed_dim = table.shape
    assert batch % _NW == 0
    b_per_w = batch // _NW
    assert b_per_w % (2 * _NBUF) == 0

    run = functools.partial(
        pl.kernel,
        out_type=jax.ShapeDtypeStruct((batch, hist, embed_dim), table.dtype),
        mesh=plsc.VectorSubcoreMesh(core_axis_name="c", subcore_axis_name="s"),
        scratch_types=[
            pltpu.VMEM((b_per_w, hist), jnp.int32),
            pltpu.VMEM((2 * _NBUF, hist, embed_dim), jnp.float32),
            pltpu.SemaphoreType.DMA((2 * _NBUF,)),
            pltpu.SemaphoreType.DMA((2 * _NBUF,)),
        ],
        compiler_params=pltpu.CompilerParams(use_tc_tiling_on_sc=False),
    )(_gather_kernel)

    return run(input, table)

# --- scband reference (transcript-rebuilt; emitter-appended) ---
"""Pipeline reference for scband-word-embeddings-21852793602235 (READ-ONLY COPY).

The authoritative reference and input builder live on the scoring server;
editing this copy changes nothing except your own understanding.
"""

import jax, jax.numpy as jnp
import numpy as np

VOCAB = 1000000
EMBED_DIM = 64
BATCH = 4096
HIST = 200

def setup_inputs(seed: int = 0) -> dict:
    key = jax.random.key(seed)
    k1, k2 = jax.random.split(key)
    # nn.Embedding weight ~ N(0, 1); padding_idx=0 row initialized to zeros
    table = jax.random.normal(k1, (VOCAB, EMBED_DIM), dtype=jnp.float32)
    table = table.at[0].set(0.0)
    input = jax.random.randint(k2, (BATCH, HIST), 0, VOCAB, dtype=jnp.int32)
    return {"input": input, "table": table}

def reference(input, table):
    # nn.Embedding forward: plain row gather
    return jnp.take(table, input, axis=0)

if __name__ == "__main__":
    import jax
    _d = setup_inputs()
    print(jax.jit(kernel)(*tuple(_d.values())))

</pallas_src>

<mosaic_0001>
#map = affine_map<(d0, d1) -> (0, 0)>
#map1 = affine_map<(d0, d1) -> (0, 0, 0)>
module attributes {stable_mosaic.version = 14 : i64} {
  func.func @_gather_kernel(%arg0: i32, %arg1: i32, %arg2: memref<4096x200xi32, #tpu.memory_space<hbm>>, %arg3: memref<1000000x64xf32, #tpu.memory_space<hbm>>, %arg4: memref<4096x200x64xf32, #tpu.memory_space<hbm>>, %arg5: memref<128x200xi32, #tpu.memory_space<vmem>>, %arg6: memref<4x200x64xf32, #tpu.memory_space<vmem>>, %arg7: memref<4x!tpu.dma_semaphore, #tpu.memory_space<semaphore_mem>>, %arg8: memref<4x!tpu.dma_semaphore, #tpu.memory_space<semaphore_mem>>) attributes {dimension_semantics = [#tpu.dimension_semantics<core_parallel>, #tpu.dimension_semantics<subcore_parallel>], iteration_bounds = array<i64: 2, 16>, scalar_prefetch = 0 : i64, scratch_operands = 4 : i64, tpu.core_type = #tpu.core_type<sc_vector_subcore>, window_params = [{transform_indices = #map}, {transform_indices = #map}, {transform_indices = #map1}]} {
    %mul3A = arith.constant 2 : i32
    %mul3A_0 = arith.muli %arg1, %mul3A : i32
    %add3A = arith.addi %mul3A_0, %arg0 : i32
    %mul3A_1 = arith.constant 128 : i32
    %mul3A_2 = arith.muli %add3A, %mul3A_1 : i32
    "tpu.region"() ({
      %run_scoped3A = tpu.sem_alloc : memref<!tpu.dma_semaphore, #tpu.memory_space<semaphore_mem>>
      %dma_start3A_301 = arith.constant 0 : i32
      %dma_start3A_302 = tpu.memref_slice %arg2[%mul3A_2, %dma_start3A_301] : memref<4096x200xi32, #tpu.memory_space<hbm>> -> memref<128x200xi32, #tpu.memory_space<hbm>>
      %dma_start3A_303 = arith.constant 0 : i32
      %dma_start3A_304 = tpu.memref_slice %arg2[%mul3A_2, %dma_start3A_303] : memref<4096x200xi32, #tpu.memory_space<hbm>> -> memref<128x200xi32, #tpu.memory_space<hbm>>
      tpu.enqueue_dma source(%dma_start3A_304 : memref<128x200xi32, #tpu.memory_space<hbm>>) target(%arg5 : memref<128x200xi32, #tpu.memory_space<vmem>>) target_semaphore(%run_scoped3A : memref<!tpu.dma_semaphore, #tpu.memory_space<semaphore_mem>>)
      %dma_wait3A_305 = arith.constant 0 : i32
      %dma_wait3A_306 = tpu.memref_slice %arg2[%mul3A_2, %dma_wait3A_305] : memref<4096x200xi32, #tpu.memory_space<hbm>> -> memref<128x200xi32, #tpu.memory_space<hbm>>
      %dma_wait3A_307 = arith.constant 0 : i32
      %dma_wait3A_308 = tpu.memref_slice %arg2[%mul3A_2, %dma_wait3A_307] : memref<4096x200xi32, #tpu.memory_space<hbm>> -> memref<128x200xi32, #tpu.memory_space<hbm>>
      tpu.wait_dma2 semaphore(%run_scoped3A : memref<!tpu.dma_semaphore, #tpu.memory_space<semaphore_mem>>) src(%dma_wait3A_308 : memref<128x200xi32, #tpu.memory_space<hbm>>) dst(%arg5 : memref<128x200xi32, #tpu.memory_space<vmem>>)
      tpu.yield
    }) : () -> ()
    %dma_start3A = arith.constant 0 : i32
    %dma_start3A_3 = arith.constant 0 : i32
    %dma_start3A_4 = arith.constant 0 : i32
    %dma_start3A_5 = arith.constant 0 : i32
    %dma_start3A_6 = arith.constant 0 : i32
    %dma_start3A_7 = tpu.memref_slice %arg6[%dma_start3A_3, %dma_start3A_5, %dma_start3A_6] : memref<4x200x64xf32, #tpu.memory_space<vmem>> -> memref<1x200x64xf32, #tpu.memory_space<vmem>>
    %dma_start3A_8 = tpu.memref_squeeze %dma_start3A_7 : memref<1x200x64xf32, #tpu.memory_space<vmem>> -> memref<200x64xf32, #tpu.memory_space<vmem>>
    %dma_start3A_9 = arith.constant 0 : i32
    %dma_start3A_10 = tpu.memref_slice %arg5[%dma_start3A, %dma_start3A_9] : memref<128x200xi32, #tpu.memory_space<vmem>> -> memref<1x200xi32, #tpu.memory_space<vmem>>
    %dma_start3A_11 = tpu.memref_squeeze %dma_start3A_10 : memref<1x200xi32, #tpu.memory_space<vmem>> -> memref<200xi32, #tpu.memory_space<vmem>>
    %dma_start3A_12 = arith.constant 0 : i32
    %dma_start3A_13 = arith.constant 0 : i32
    %dma_start3A_14 = tpu.memref_slice %arg3[%dma_start3A_12, %dma_start3A_13] : memref<1000000x64xf32, #tpu.memory_space<hbm>> -> memref<1000000x64xf32, #tpu.memory_space<hbm>>
    %dma_start3A_15 = tpu.memref_slice %arg7[%dma_start3A_4] : memref<4x!tpu.dma_semaphore, #tpu.memory_space<semaphore_mem>> -> memref<1x!tpu.dma_semaphore, #tpu.memory_space<semaphore_mem>>
    %dma_start3A_16 = tpu.memref_squeeze %dma_start3A_15 : memref<1x!tpu.dma_semaphore, #tpu.memory_space<semaphore_mem>> -> memref<!tpu.dma_semaphore, #tpu.memory_space<semaphore_mem>>
    tpu.enqueue_indirect_dma source(%dma_start3A_14 : memref<1000000x64xf32, #tpu.memory_space<hbm>>) target(%dma_start3A_8 : memref<200x64xf32, #tpu.memory_space<vmem>>) offsets(%dma_start3A_11 : memref<200xi32, #tpu.memory_space<vmem>>) semaphore(%dma_start3A_16 : memref<!tpu.dma_semaphore, #tpu.memory_space<semaphore_mem>>)
    %dma_start3A_17 = arith.constant 1 : i32
    %dma_start3A_18 = arith.constant 1 : i32
    %dma_start3A_19 = arith.constant 1 : i32
    %dma_start3A_20 = arith.constant 0 : i32
    %dma_start3A_21 = arith.constant 0 : i32
    %dma_start3A_22 = tpu.memref_slice %arg6[%dma_start3A_18, %dma_start3A_20, %dma_start3A_21] : memref<4x200x64xf32, #tpu.memory_space<vmem>> -> memref<1x200x64xf32, #tpu.memory_space<vmem>>
    %dma_start3A_23 = tpu.memref_squeeze %dma_start3A_22 : memref<1x200x64xf32, #tpu.memory_space<vmem>> -> memref<200x64xf32, #tpu.memory_space<vmem>>
    %dma_start3A_24 = arith.constant 0 : i32
    %dma_start3A_25 = tpu.memref_slice %arg5[%dma_start3A_17, %dma_start3A_24] : memref<128x200xi32, #tpu.memory_space<vmem>> -> memref<1x200xi32, #tpu.memory_space<vmem>>
    %dma_start3A_26 = tpu.memref_squeeze %dma_start3A_25 : memref<1x200xi32, #tpu.memory_space<vmem>> -> memref<200xi32, #tpu.memory_space<vmem>>
    %dma_start3A_27 = arith.constant 0 : i32
    %dma_start3A_28 = arith.constant 0 : i32
    %dma_start3A_29 = tpu.memref_slice %arg3[%dma_start3A_27, %dma_start3A_28] : memref<1000000x64xf32, #tpu.memory_space<hbm>> -> memref<1000000x64xf32, #tpu.memory_space<hbm>>
    %dma_start3A_30 = tpu.memref_slice %arg7[%dma_start3A_19] : memref<4x!tpu.dma_semaphore, #tpu.memory_space<semaphore_mem>> -> memref<1x!tpu.dma_semaphore, #tpu.memory_space<semaphore_mem>>
    %dma_start3A_31 = tpu.memref_squeeze %dma_start3A_30 : memref<1x!tpu.dma_semaphore, #tpu.memory_space<semaphore_mem>> -> memref<!tpu.dma_semaphore, #tpu.memory_space<semaphore_mem>>
    tpu.enqueue_indirect_dma source(%dma_start3A_29 : memref<1000000x64xf32, #tpu.memory_space<hbm>>) target(%dma_start3A_23 : memref<200x64xf32, #tpu.memory_space<vmem>>) offsets(%dma_start3A_26 : memref<200xi32, #tpu.memory_space<vmem>>) semaphore(%dma_start3A_31 : memref<!tpu.dma_semaphore, #tpu.memory_space<semaphore_mem>>)
    %dma_wait3A = arith.constant 0 : i32
    %dma_wait3A_32 = arith.constant 0 : i32
    %dma_wait3A_33 = arith.constant 0 : i32
    %dma_wait3A_34 = arith.constant 0 : i32
    %dma_wait3A_35 = arith.constant 0 : i32
    %dma_wait3A_36 = tpu.memref_slice %arg6[%dma_wait3A_32, %dma_wait3A_34, %dma_wait3A_35] : memref<4x200x64xf32, #tpu.memory_space<vmem>> -> memref<1x200x64xf32, #tpu.memory_space<vmem>>
    %dma_wait3A_37 = tpu.memref_squeeze %dma_wait3A_36 : memref<1x200x64xf32, #tpu.memory_space<vmem>> -> memref<200x64xf32, #tpu.memory_space<vmem>>
    %dma_wait3A_38 = arith.constant 0 : i32
    %dma_wait3A_39 = tpu.memref_slice %arg5[%dma_wait3A, %dma_wait3A_38] : memref<128x200xi32, #tpu.memory_space<vmem>> -> memref<1x200xi32, #tpu.memory_space<vmem>>
    %dma_wait3A_40 = tpu.memref_squeeze %dma_wait3A_39 : memref<1x200xi32, #tpu.memory_space<vmem>> -> memref<200xi32, #tpu.memory_space<vmem>>
    %dma_wait3A_41 = arith.constant 0 : i32
    %dma_wait3A_42 = arith.constant 0 : i32
    %dma_wait3A_43 = tpu.memref_slice %arg3[%dma_wait3A_41, %dma_wait3A_42] : memref<1000000x64xf32, #tpu.memory_space<hbm>> -> memref<1000000x64xf32, #tpu.memory_space<hbm>>
    %dma_wait3A_44 = tpu.memref_slice %arg7[%dma_wait3A_33] : memref<4x!tpu.dma_semaphore, #tpu.memory_space<semaphore_mem>> -> memref<1x!tpu.dma_semaphore, #tpu.memory_space<semaphore_mem>>
    %dma_wait3A_45 = tpu.memref_squeeze %dma_wait3A_44 : memref<1x!tpu.dma_semaphore, #tpu.memory_space<semaphore_mem>> -> memref<!tpu.dma_semaphore, #tpu.memory_space<semaphore_mem>>
    tpu.wait_indirect_dma semaphore(%dma_wait3A_45 : memref<!tpu.dma_semaphore, #tpu.memory_space<semaphore_mem>>) src(%dma_wait3A_43 : memref<1000000x64xf32, #tpu.memory_space<hbm>>) dst(%dma_wait3A_37 : memref<200x64xf32, #tpu.memory_space<vmem>>)
    %add3A_46 = arith.constant 0 : i32
    %add3A_47 = arith.addi %mul3A_2, %add3A_46 : i32
    %dma_start3A_48 = arith.constant 0 : i32
    %dma_start3A_49 = arith.constant 0 : i32
    %dma_start3A_50 = arith.constant 0 : i32
    %dma_start3A_51 = arith.constant 0 : i32
    %dma_start3A_52 = tpu.memref_slice %arg6[%dma_start3A_48, %dma_start3A_50, %dma_start3A_51] : memref<4x200x64xf32, #tpu.memory_space<vmem>> -> memref<1x200x64xf32, #tpu.memory_space<vmem>>
    %dma_start3A_53 = tpu.memref_squeeze %dma_start3A_52 : memref<1x200x64xf32, #tpu.memory_space<vmem>> -> memref<200x64xf32, #tpu.memory_space<vmem>>
    %dma_start3A_54 = arith.constant 0 : i32
    %dma_start3A_55 = arith.constant 0 : i32
    %dma_start3A_56 = tpu.memref_slice %arg4[%add3A_47, %dma_start3A_54, %dma_start3A_55] : memref<4096x200x64xf32, #tpu.memory_space<hbm>> -> memref<1x200x64xf32, #tpu.memory_space<hbm>>
    %dma_start3A_57 = tpu.memref_squeeze %dma_start3A_56 : memref<1x200x64xf32, #tpu.memory_space<hbm>> -> memref<200x64xf32, #tpu.memory_space<hbm>>
    %dma_start3A_58 = tpu.memref_slice %arg8[%dma_start3A_49] : memref<4x!tpu.dma_semaphore, #tpu.memory_space<semaphore_mem>> -> memref<1x!tpu.dma_semaphore, #tpu.memory_space<semaphore_mem>>
    %dma_start3A_59 = tpu.memref_squeeze %dma_start3A_58 : memref<1x!tpu.dma_semaphore, #tpu.memory_space<semaphore_mem>> -> memref<!tpu.dma_semaphore, #tpu.memory_space<semaphore_mem>>
    %dma_start3A_60 = arith.constant 0 : i32
    %dma_start3A_61 = arith.constant 0 : i32
    %dma_start3A_62 = tpu.memref_slice %arg4[%add3A_47, %dma_start3A_60, %dma_start3A_61] : memref<4096x200x64xf32, #tpu.memory_space<hbm>> -> memref<1x200x64xf32, #tpu.memory_space<hbm>>
    %dma_start3A_63 = tpu.memref_squeeze %dma_start3A_62 : memref<1x200x64xf32, #tpu.memory_space<hbm>> -> memref<200x64xf32, #tpu.memory_space<hbm>>
    %dma_start3A_64 = arith.constant 0 : i32
    %dma_start3A_65 = arith.constant 0 : i32
    %dma_start3A_66 = tpu.memref_slice %arg6[%dma_start3A_48, %dma_start3A_64, %dma_start3A_65] : memref<4x200x64xf32, #tpu.memory_space<vmem>> -> memref<1x200x64xf32, #tpu.memory_space<vmem>>
    %dma_start3A_67 = tpu.memref_squeeze %dma_start3A_66 : memref<1x200x64xf32, #tpu.memory_space<vmem>> -> memref<200x64xf32, #tpu.memory_space<vmem>>
    tpu.enqueue_dma source(%dma_start3A_67 : memref<200x64xf32, #tpu.memory_space<vmem>>) target(%dma_start3A_63 : memref<200x64xf32, #tpu.memory_space<hbm>>) target_semaphore(%dma_start3A_59 : memref<!tpu.dma_semaphore, #tpu.memory_space<semaphore_mem>>)
    %dma_wait3A_68 = arith.constant 1 : i32
    %dma_wait3A_69 = arith.constant 1 : i32
    %dma_wait3A_70 = arith.constant 1 : i32
    %dma_wait3A_71 = arith.constant 0 : i32
    %dma_wait3A_72 = arith.constant 0 : i32
    %dma_wait3A_73 = tpu.memref_slice %arg6[%dma_wait3A_69, %dma_wait3A_71, %dma_wait3A_72] : memref<4x200x64xf32, #tpu.memory_space<vmem>> -> memref<1x200x64xf32, #tpu.memory_space<vmem>>
    %dma_wait3A_74 = tpu.memref_squeeze %dma_wait3A_73 : memref<1x200x64xf32, #tpu.memory_space<vmem>> -> memref<200x64xf32, #tpu.memory_space<vmem>>
    %dma_wait3A_75 = arith.constant 0 : i32
    %dma_wait3A_76 = tpu.memref_slice %arg5[%dma_wait3A_68, %dma_wait3A_75] : memref<128x200xi32, #tpu.memory_space<vmem>> -> memref<1x200xi32, #tpu.memory_space<vmem>>
    %dma_wait3A_77 = tpu.memref_squeeze %dma_wait3A_76 : memref<1x200xi32, #tpu.memory_space<vmem>> -> memref<200xi32, #tpu.memory_space<vmem>>
    %dma_wait3A_78 = arith.constant 0 : i32
    %dma_wait3A_79 = arith.constant 0 : i32
    %dma_wait3A_80 = tpu.memref_slice %arg3[%dma_wait3A_78, %dma_wait3A_79] : memref<1000000x64xf32, #tpu.memory_space<hbm>> -> memref<1000000x64xf32, #tpu.memory_space<hbm>>
    %dma_wait3A_81 = tpu.memref_slice %arg7[%dma_wait3A_70] : memref<4x!tpu.dma_semaphore, #tpu.memory_space<semaphore_mem>> -> memref<1x!tpu.dma_semaphore, #tpu.memory_space<semaphore_mem>>
    %dma_wait3A_82 = tpu.memref_squeeze %dma_wait3A_81 : memref<1x!tpu.dma_semaphore, #tpu.memory_space<semaphore_mem>> -> memref<!tpu.dma_semaphore, #tpu.memory_space<semaphore_mem>>
    tpu.wait_indirect_dma semaphore(%dma_wait3A_82 : memref<!tpu.dma_semaphore, #tpu.memory_space<semaphore_mem>>) src(%dma_wait3A_80 : memref<1000000x64xf32, #tpu.memory_space<hbm>>) dst(%dma_wait3A_74 : memref<200x64xf32, #tpu.memory_space<vmem>>)
    %add3A_83 = arith.constant 1 : i32
    %add3A_84 = arith.addi %mul3A_2, %add3A_83 : i32
    %dma_start3A_85 = arith.constant 1 : i32
    %dma_start3A_86 = arith.constant 1 : i32
    %dma_start3A_87 = arith.constant 0 : i32
    %dma_start3A_88 = arith.constant 0 : i32
    %dma_start3A_89 = tpu.memref_slice %arg6[%dma_start3A_85, %dma_start3A_87, %dma_start3A_88] : memref<4x200x64xf32, #tpu.memory_space<vmem>> -> memref<1x200x64xf32, #tpu.memory_space<vmem>>
    %dma_start3A_90 = tpu.memref_squeeze %dma_start3A_89 : memref<1x200x64xf32, #tpu.memory_space<vmem>> -> memref<200x64xf32, #tpu.memory_space<vmem>>
    %dma_start3A_91 = arith.constant 0 : i32
    %dma_start3A_92 = arith.constant 0 : i32
    %dma_start3A_93 = tpu.memref_slice %arg4[%add3A_84, %dma_start3A_91, %dma_start3A_92] : memref<4096x200x64xf32, #tpu.memory_space<hbm>> -> memref<1x200x64xf32, #tpu.memory_space<hbm>>
    %dma_start3A_94 = tpu.memref_squeeze %dma_start3A_93 : memref<1x200x64xf32, #tpu.memory_space<hbm>> -> memref<200x64xf32, #tpu.memory_space<hbm>>
    %dma_start3A_95 = tpu.memref_slice %arg8[%dma_start3A_86] : memref<4x!tpu.dma_semaphore, #tpu.memory_space<semaphore_mem>> -> memref<1x!tpu.dma_semaphore, #tpu.memory_space<semaphore_mem>>
    %dma_start3A_96 = tpu.memref_squeeze %dma_start3A_95 : memref<1x!tpu.dma_semaphore, #tpu.memory_space<semaphore_mem>> -> memref<!tpu.dma_semaphore, #tpu.memory_space<semaphore_mem>>
    %dma_start3A_97 = arith.constant 0 : i32
    %dma_start3A_98 = arith.constant 0 : i32
    %dma_start3A_99 = tpu.memref_slice %arg4[%add3A_84, %dma_start3A_97, %dma_start3A_98] : memref<4096x200x64xf32, #tpu.memory_space<hbm>> -> memref<1x200x64xf32, #tpu.memory_space<hbm>>
    %dma_start3A_100 = tpu.memref_squeeze %dma_start3A_99 : memref<1x200x64xf32, #tpu.memory_space<hbm>> -> memref<200x64xf32, #tpu.memory_space<hbm>>
    %dma_start3A_101 = arith.constant 0 : i32
    %dma_start3A_102 = arith.constant 0 : i32
    %dma_start3A_103 = tpu.memref_slice %arg6[%dma_start3A_85, %dma_start3A_101, %dma_start3A_102] : memref<4x200x64xf32, #tpu.memory_space<vmem>> -> memref<1x200x64xf32, #tpu.memory_space<vmem>>
    %dma_start3A_104 = tpu.memref_squeeze %dma_start3A_103 : memref<1x200x64xf32, #tpu.memory_space<vmem>> -> memref<200x64xf32, #tpu.memory_space<vmem>>
    tpu.enqueue_dma source(%dma_start3A_104 : memref<200x64xf32, #tpu.memory_space<vmem>>) target(%dma_start3A_100 : memref<200x64xf32, #tpu.memory_space<hbm>>) target_semaphore(%dma_start3A_96 : memref<!tpu.dma_semaphore, #tpu.memory_space<semaphore_mem>>)
    %dma_start3A_105 = arith.constant 2 : i32
    %dma_start3A_106 = arith.constant 2 : i32
    %dma_start3A_107 = arith.constant 2 : i32
    %dma_start3A_108 = arith.constant 0 : i32
    %dma_start3A_109 = arith.constant 0 : i32
    %dma_start3A_110 = tpu.memref_slice %arg6[%dma_start3A_106, %dma_start3A_108, %dma_start3A_109] : memref<4x200x64xf32, #tpu.memory_space<vmem>> -> memref<1x200x64xf32, #tpu.memory_space<vmem>>
    %dma_start3A_111 = tpu.memref_squeeze %dma_start3A_110 : memref<1x200x64xf32, #tpu.memory_space<vmem>> -> memref<200x64xf32, #tpu.memory_space<vmem>>
    %dma_start3A_112 = arith.constant 0 : i32
    %dma_start3A_113 = tpu.memref_slice %arg5[%dma_start3A_105, %dma_start3A_112] : memref<128x200xi32, #tpu.memory_space<vmem>> -> memref<1x200xi32, #tpu.memory_space<vmem>>
    %dma_start3A_114 = tpu.memref_squeeze %dma_start3A_113 : memref<1x200xi32, #tpu.memory_space<vmem>> -> memref<200xi32, #tpu.memory_space<vmem>>
    %dma_start3A_115 = arith.constant 0 : i32
    %dma_start3A_116 = arith.constant 0 : i32
    %dma_start3A_117 = tpu.memref_slice %arg3[%dma_start3A_115, %dma_start3A_116] : memref<1000000x64xf32, #tpu.memory_space<hbm>> -> memref<1000000x64xf32, #tpu.memory_space<hbm>>
    %dma_start3A_118 = tpu.memref_slice %arg7[%dma_start3A_107] : memref<4x!tpu.dma_semaphore, #tpu.memory_space<semaphore_mem>> -> memref<1x!tpu.dma_semaphore, #tpu.memory_space<semaphore_mem>>
    %dma_start3A_119 = tpu.memref_squeeze %dma_start3A_118 : memref<1x!tpu.dma_semaphore, #tpu.memory_space<semaphore_mem>> -> memref<!tpu.dma_semaphore, #tpu.memory_space<semaphore_mem>>
    tpu.enqueue_indirect_dma source(%dma_start3A_117 : memref<1000000x64xf32, #tpu.memory_space<hbm>>) target(%dma_start3A_111 : memref<200x64xf32, #tpu.memory_space<vmem>>) offsets(%dma_start3A_114 : memref<200xi32, #tpu.memory_space<vmem>>) semaphore(%dma_start3A_119 : memref<!tpu.dma_semaphore, #tpu.memory_space<semaphore_mem>>)
    %dma_start3A_120 = arith.constant 3 : i32
    %dma_start3A_121 = arith.constant 3 : i32
    %dma_start3A_122 = arith.constant 3 : i32
    %dma_start3A_123 = arith.constant 0 : i32
    %dma_start3A_124 = arith.constant 0 : i32
    %dma_start3A_125 = tpu.memref_slice %arg6[%dma_start3A_121, %dma_start3A_123, %dma_start3A_124] : memref<4x200x64xf32, #tpu.memory_space<vmem>> -> memref<1x200x64xf32, #tpu.memory_space<vmem>>
    %dma_start3A_126 = tpu.memref_squeeze %dma_start3A_125 : memref<1x200x64xf32, #tpu.memory_space<vmem>> -> memref<200x64xf32, #tpu.memory_space<vmem>>
    %dma_start3A_127 = arith.constant 0 : i32
    %dma_start3A_128 = tpu.memref_slice %arg5[%dma_start3A_120, %dma_start3A_127] : memref<128x200xi32, #tpu.memory_space<vmem>> -> memref<1x200xi32, #tpu.memory_space<vmem>>
    %dma_start3A_129 = tpu.memref_squeeze %dma_start3A_128 : memref<1x200xi32, #tpu.memory_space<vmem>> -> memref<200xi32, #tpu.memory_space<vmem>>
    %dma_start3A_130 = arith.constant 0 : i32
    %dma_start3A_131 = arith.constant 0 : i32
    %dma_start3A_132 = tpu.memref_slice %arg3[%dma_start3A_130, %dma_start3A_131] : memref<1000000x64xf32, #tpu.memory_space<hbm>> -> memref<1000000x64xf32, #tpu.memory_space<hbm>>
    %dma_start3A_133 = tpu.memref_slice %arg7[%dma_start3A_122] : memref<4x!tpu.dma_semaphore, #tpu.memory_space<semaphore_mem>> -> memref<1x!tpu.dma_semaphore, #tpu.memory_space<semaphore_mem>>
    %dma_start3A_134 = tpu.memref_squeeze %dma_start3A_133 : memref<1x!tpu.dma_semaphore, #tpu.memory_space<semaphore_mem>> -> memref<!tpu.dma_semaphore, #tpu.memory_space<semaphore_mem>>
    tpu.enqueue_indirect_dma source(%dma_start3A_132 : memref<1000000x64xf32, #tpu.memory_space<hbm>>) target(%dma_start3A_126 : memref<200x64xf32, #tpu.memory_space<vmem>>) offsets(%dma_start3A_129 : memref<200xi32, #tpu.memory_space<vmem>>) semaphore(%dma_start3A_134 : memref<!tpu.dma_semaphore, #tpu.memory_space<semaphore_mem>>)
    %scan3A = arith.constant 0 : i32
    %scan3A_135 = arith.constant 31 : i32
    %scan3A_136 = arith.addi %scan3A, %scan3A_135 : i32
    %scan3A_137 = arith.constant 1 : i32
    scf.for %scan3A_301 = %scan3A to %scan3A_136 step %scan3A_137  : i32 {
      %mul3A_302 = arith.constant 2 : i32
      %mul3A_303 = arith.muli %scan3A_301, %mul3A_302 : i32
      %add3A_304 = arith.constant 1 : i32
      %add3A_305 = arith.addi %add3A_304, %mul3A_303 : i32
      %mul3A_306 = arith.constant 2 : i32
      %mul3A_307 = arith.muli %add3A_305, %mul3A_306 : i32
      %add3A_308 = arith.constant 0 : i32
      %add3A_309 = arith.addi %mul3A_307, %add3A_308 : i32
      %dma_wait3A_310 = arith.constant 2 : i32
      %dma_wait3A_311 = arith.constant 2 : i32
      %dma_wait3A_312 = arith.constant 0 : i32
      %dma_wait3A_313 = arith.constant 0 : i32
      %dma_wait3A_314 = tpu.memref_slice %arg6[%dma_wait3A_310, %dma_wait3A_312, %dma_wait3A_313] : memref<4x200x64xf32, #tpu.memory_space<vmem>> -> memref<1x200x64xf32, #tpu.memory_space<vmem>>
      %dma_wait3A_315 = tpu.memref_squeeze %dma_wait3A_314 : memref<1x200x64xf32, #tpu.memory_space<vmem>> -> memref<200x64xf32, #tpu.memory_space<vmem>>
      %dma_wait3A_316 = arith.constant 0 : i32
      %dma_wait3A_317 = tpu.memref_slice %arg5[%add3A_309, %dma_wait3A_316] : memref<128x200xi32, #tpu.memory_space<vmem>> -> memref<1x200xi32, #tpu.memory_space<vmem>>
      %dma_wait3A_318 = tpu.memref_squeeze %dma_wait3A_317 : memref<1x200xi32, #tpu.memory_space<vmem>> -> memref<200xi32, #tpu.memory_space<vmem>>
      %dma_wait3A_319 = arith.constant 0 : i32
      %dma_wait3A_320 = arith.constant 0 : i32
      %dma_wait3A_321 = tpu.memref_slice %arg3[%dma_wait3A_319, %dma_wait3A_320] : memref<1000000x64xf32, #tpu.memory_space<hbm>> -> memref<1000000x64xf32, #tpu.memory_space<hbm>>
      %dma_wait3A_322 = tpu.memref_slice %arg7[%dma_wait3A_311] : memref<4x!tpu.dma_semaphore, #tpu.memory_space<semaphore_mem>> -> memref<1x!tpu.dma_semaphore, #tpu.memory_space<semaphore_mem>>
      %dma_wait3A_323 = tpu.memref_squeeze %dma_wait3A_322 : memref<1x!tpu.dma_semaphore, #tpu.memory_space<semaphore_mem>> -> memref<!tpu.dma_semaphore, #tpu.memory_space<semaphore_mem>>
      tpu.wait_indirect_dma semaphore(%dma_wait3A_323 : memref<!tpu.dma_semaphore, #tpu.memory_space<semaphore_mem>>) src(%dma_wait3A_321 : memref<1000000x64xf32, #tpu.memory_space<hbm>>) dst(%dma_wait3A_315 : memref<200x64xf32, #tpu.memory_space<vmem>>)
      %mul3A_324 = arith.constant 2 : i32
      %mul3A_325 = arith.muli %add3A_305, %mul3A_324 : i32
      %add3A_326 = arith.constant 0 : i32
      %add3A_327 = arith.addi %mul3A_325, %add3A_326 : i32
      %add3A_328 = arith.addi %mul3A_2, %add3A_327 : i32
      %dma_start3A_329 = arith.constant 2 : i32
      %dma_start3A_330 = arith.constant 2 : i32
      %dma_start3A_331 = arith.constant 0 : i32
      %dma_start3A_332 = arith.constant 0 : i32
      %dma_start3A_333 = tpu.memref_slice %arg6[%dma_start3A_329, %dma_start3A_331, %dma_start3A_332] : memref<4x200x64xf32, #tpu.memory_space<vmem>> -> memref<1x200x64xf32, #tpu.memory_space<vmem>>
      %dma_start3A_334 = tpu.memref_squeeze %dma_start3A_333 : memref<1x200x64xf32, #tpu.memory_space<vmem>> -> memref<200x64xf32, #tpu.memory_space<vmem>>
      %dma_start3A_335 = arith.constant 0 : i32
      %dma_start3A_336 = arith.constant 0 : i32
      %dma_start3A_337 = tpu.memref_slice %arg4[%add3A_328, %dma_start3A_335, %dma_start3A_336] : memref<4096x200x64xf32, #tpu.memory_space<hbm>> -> memref<1x200x64xf32, #tpu.memory_space<hbm>>
      %dma_start3A_338 = tpu.memref_squeeze %dma_start3A_337 : memref<1x200x64xf32, #tpu.memory_space<hbm>> -> memref<200x64xf32, #tpu.memory_space<hbm>>
      %dma_start3A_339 = tpu.memref_slice %arg8[%dma_start3A_330] : memref<4x!tpu.dma_semaphore, #tpu.memory_space<semaphore_mem>> -> memref<1x!tpu.dma_semaphore, #tpu.memory_space<semaphore_mem>>
      %dma_start3A_340 = tpu.memref_squeeze %dma_start3A_339 : memref<1x!tpu.dma_semaphore, #tpu.memory_space<semaphore_mem>> -> memref<!tpu.dma_semaphore, #tpu.memory_space<semaphore_mem>>
      %dma_start3A_341 = arith.constant 0 : i32
      %dma_start3A_342 = arith.constant 0 : i32
      %dma_start3A_343 = tpu.memref_slice %arg4[%add3A_328, %dma_start3A_341, %dma_start3A_342] : memref<4096x200x64xf32, #tpu.memory_space<hbm>> -> memref<1x200x64xf32, #tpu.memory_space<hbm>>
      %dma_start3A_344 = tpu.memref_squeeze %dma_start3A_343 : memref<1x200x64xf32, #tpu.memory_space<hbm>> -> memref<200x64xf32, #tpu.memory_space<hbm>>
      %dma_start3A_345 = arith.constant 0 : i32
      %dma_start3A_346 = arith.constant 0 : i32
      %dma_start3A_347 = tpu.memref_slice %arg6[%dma_start3A_329, %dma_start3A_345, %dma_start3A_346] : memref<4x200x64xf32, #tpu.memory_space<vmem>> -> memref<1x200x64xf32, #tpu.memory_space<vmem>>
      %dma_start3A_348 = tpu.memref_squeeze %dma_start3A_347 : memref<1x200x64xf32, #tpu.memory_space<vmem>> -> memref<200x64xf32, #tpu.memory_space<vmem>>
      tpu.enqueue_dma source(%dma_start3A_348 : memref<200x64xf32, #tpu.memory_space<vmem>>) target(%dma_start3A_344 : memref<200x64xf32, #tpu.memory_space<hbm>>) target_semaphore(%dma_start3A_340 : memref<!tpu.dma_semaphore, #tpu.memory_space<semaphore_mem>>)
      %mul3A_349 = arith.constant 2 : i32
      %mul3A_350 = arith.muli %add3A_305, %mul3A_349 : i32
      %add3A_351 = arith.constant 1 : i32
      %add3A_352 = arith.addi %mul3A_350, %add3A_351 : i32
      %dma_wait3A_353 = arith.constant 3 : i32
      %dma_wait3A_354 = arith.constant 3 : i32
      %dma_wait3A_355 = arith.constant 0 : i32
      %dma_wait3A_356 = arith.constant 0 : i32
      %dma_wait3A_357 = tpu.memref_slice %arg6[%dma_wait3A_353, %dma_wait3A_355, %dma_wait3A_356] : memref<4x200x64xf32, #tpu.memory_space<vmem>> -> memref<1x200x64xf32, #tpu.memory_space<vmem>>
      %dma_wait3A_358 = tpu.memref_squeeze %dma_wait3A_357 : memref<1x200x64xf32, #tpu.memory_space<vmem>> -> memref<200x64xf32, #tpu.memory_space<vmem>>
      %dma_wait3A_359 = arith.constant 0 : i32
      %dma_wait3A_360 = tpu.memref_slice %arg5[%add3A_352, %dma_wait3A_359] : memref<128x200xi32, #tpu.memory_space<vmem>> -> memref<1x200xi32, #tpu.memory_space<vmem>>
      %dma_wait3A_361 = tpu.memref_squeeze %dma_wait3A_360 : memref<1x200xi32, #tpu.memory_space<vmem>> -> memref<200xi32, #tpu.memory_space<vmem>>
      %dma_wait3A_362 = arith.constant 0 : i32
      %dma_wait3A_363 = arith.constant 0 : i32
      %dma_wait3A_364 = tpu.memref_slice %arg3[%dma_wait3A_362, %dma_wait3A_363] : memref<1000000x64xf32, #tpu.memory_space<hbm>> -> memref<1000000x64xf32, #tpu.memory_space<hbm>>
      %dma_wait3A_365 = tpu.memref_slice %arg7[%dma_wait3A_354] : memref<4x!tpu.dma_semaphore, #tpu.memory_space<semaphore_mem>> -> memref<1x!tpu.dma_semaphore, #tpu.memory_space<semaphore_mem>>
      %dma_wait3A_366 = tpu.memref_squeeze %dma_wait3A_365 : memref<1x!tpu.dma_semaphore, #tpu.memory_space<semaphore_mem>> -> memref<!tpu.dma_semaphore, #tpu.memory_space<semaphore_mem>>
      tpu.wait_indirect_dma semaphore(%dma_wait3A_366 : memref<!tpu.dma_semaphore, #tpu.memory_space<semaphore_mem>>) src(%dma_wait3A_364 : memref<1000000x64xf32, #tpu.memory_space<hbm>>) dst(%dma_wait3A_358 : memref<200x64xf32, #tpu.memory_space<vmem>>)
      %mul3A_367 = arith.constant 2 : i32
      %mul3A_368 = arith.muli %add3A_305, %mul3A_367 : i32
      %add3A_369 = arith.constant 1 : i32
      %add3A_370 = arith.addi %mul3A_368, %add3A_369 : i32
      %add3A_371 = arith.addi %mul3A_2, %add3A_370 : i32
      %dma_start3A_372 = arith.constant 3 : i32
      %dma_start3A_373 = arith.constant 3 : i32
      %dma_start3A_374 = arith.constant 0 : i32
      %dma_start3A_375 = arith.constant 0 : i32
      %dma_start3A_376 = tpu.memref_slice %arg6[%dma_start3A_372, %dma_start3A_374, %dma_start3A_375] : memref<4x200x64xf32, #tpu.memory_space<vmem>> -> memref<1x200x64xf32, #tpu.memory_space<vmem>>
      %dma_start3A_377 = tpu.memref_squeeze %dma_start3A_376 : memref<1x200x64xf32, #tpu.memory_space<vmem>> -> memref<200x64xf32, #tpu.memory_space<vmem>>
      %dma_start3A_378 = arith.constant 0 : i32
      %dma_start3A_379 = arith.constant 0 : i32
      %dma_start3A_380 = tpu.memref_slice %arg4[%add3A_371, %dma_start3A_378, %dma_start3A_379] : memref<4096x200x64xf32, #tpu.memory_space<hbm>> -> memref<1x200x64xf32, #tpu.memory_space<hbm>>
      %dma_start3A_381 = tpu.memref_squeeze %dma_start3A_380 : memref<1x200x64xf32, #tpu.memory_space<hbm>> -> memref<200x64xf32, #tpu.memory_space<hbm>>
      %dma_start3A_382 = tpu.memref_slice %arg8[%dma_start3A_373] : memref<4x!tpu.dma_semaphore, #tpu.memory_space<semaphore_mem>> -> memref<1x!tpu.dma_semaphore, #tpu.memory_space<semaphore_mem>>
      %dma_start3A_383 = tpu.memref_squeeze %dma_start3A_382 : memref<1x!tpu.dma_semaphore, #tpu.memory_space<semaphore_mem>> -> memref<!tpu.dma_semaphore, #tpu.memory_space<semaphore_mem>>
      %dma_start3A_384 = arith.constant 0 : i32
      %dma_start3A_385 = arith.constant 0 : i32
      %dma_start3A_386 = tpu.memref_slice %arg4[%add3A_371, %dma_start3A_384, %dma_start3A_385] : memref<4096x200x64xf32, #tpu.memory_space<hbm>> -> memref<1x200x64xf32, #tpu.memory_space<hbm>>
      %dma_start3A_387 = tpu.memref_squeeze %dma_start3A_386 : memref<1x200x64xf32, #tpu.memory_space<hbm>> -> memref<200x64xf32, #tpu.memory_space<hbm>>
      %dma_start3A_388 = arith.constant 0 : i32
      %dma_start3A_389 = arith.constant 0 : i32
      %dma_start3A_390 = tpu.memref_slice %arg6[%dma_start3A_372, %dma_start3A_388, %dma_start3A_389] : memref<4x200x64xf32, #tpu.memory_space<vmem>> -> memref<1x200x64xf32, #tpu.memory_space<vmem>>
      %dma_start3A_391 = tpu.memref_squeeze %dma_start3A_390 : memref<1x200x64xf32, #tpu.memory_space<vmem>> -> memref<200x64xf32, #tpu.memory_space<vmem>>
      tpu.enqueue_dma source(%dma_start3A_391 : memref<200x64xf32, #tpu.memory_space<vmem>>) target(%dma_start3A_387 : memref<200x64xf32, #tpu.memory_space<hbm>>) target_semaphore(%dma_start3A_383 : memref<!tpu.dma_semaphore, #tpu.memory_space<semaphore_mem>>)
      %sub3A = arith.constant 1 : i32
      %sub3A_392 = arith.subi %add3A_305, %sub3A : i32
      %mul3A_393 = arith.constant 2 : i32
      %mul3A_394 = arith.muli %sub3A_392, %mul3A_393 : i32
      %add3A_395 = arith.constant 0 : i32
      %add3A_396 = arith.addi %mul3A_394, %add3A_395 : i32
      %add3A_397 = arith.addi %mul3A_2, %add3A_396 : i32
      %dma_wait3A_398 = arith.constant 0 : i32
      %dma_wait3A_399 = arith.constant 0 : i32
      %dma_wait3A_400 = arith.constant 0 : i32
      %dma_wait3A_401 = arith.constant 0 : i32
      %dma_wait3A_402 = tpu.memref_slice %arg6[%dma_wait3A_398, %dma_wait3A_400, %dma_wait3A_401] : memref<4x200x64xf32, #tpu.memory_space<vmem>> -> memref<1x200x64xf32, #tpu.memory_space<vmem>>
      %dma_wait3A_403 = tpu.memref_squeeze %dma_wait3A_402 : memref<1x200x64xf32, #tpu.memory_space<vmem>> -> memref<200x64xf32, #tpu.memory_space<vmem>>
      %dma_wait3A_404 = arith.constant 0 : i32
      %dma_wait3A_405 = arith.constant 0 : i32
      %dma_wait3A_406 = tpu.memref_slice %arg4[%add3A_397, %dma_wait3A_404, %dma_wait3A_405] : memref<4096x200x64xf32, #tpu.memory_space<hbm>> -> memref<1x200x64xf32, #tpu.memory_space<hbm>>
      %dma_wait3A_407 = tpu.memref_squeeze %dma_wait3A_406 : memref<1x200x64xf32, #tpu.memory_space<hbm>> -> memref<200x64xf32, #tpu.memory_space<hbm>>
      %dma_wait3A_408 = tpu.memref_slice %arg8[%dma_wait3A_399] : memref<4x!tpu.dma_semaphore, #tpu.memory_space<semaphore_mem>> -> memref<1x!tpu.dma_semaphore, #tpu.memory_space<semaphore_mem>>
      %dma_wait3A_409 = tpu.memref_squeeze %dma_wait3A_408 : memref<1x!tpu.dma_semaphore, #tpu.memory_space<semaphore_mem>> -> memref<!tpu.dma_semaphore, #tpu.memory_space<semaphore_mem>>
      %dma_wait3A_410 = arith.constant 0 : i32
      %dma_wait3A_411 = arith.constant 0 : i32
      %dma_wait3A_412 = tpu.memref_slice %arg4[%add3A_397, %dma_wait3A_410, %dma_wait3A_411] : memref<4096x200x64xf32, #tpu.memory_space<hbm>> -> memref<1x200x64xf32, #tpu.memory_space<hbm>>
      %dma_wait3A_413 = tpu.memref_squeeze %dma_wait3A_412 : memref<1x200x64xf32, #tpu.memory_space<hbm>> -> memref<200x64xf32, #tpu.memory_space<hbm>>
      %dma_wait3A_414 = arith.constant 0 : i32
      %dma_wait3A_415 = arith.constant 0 : i32
      %dma_wait3A_416 = tpu.memref_slice %arg6[%dma_wait3A_398, %dma_wait3A_414, %dma_wait3A_415] : memref<4x200x64xf32, #tpu.memory_space<vmem>> -> memref<1x200x64xf32, #tpu.memory_space<vmem>>
      %dma_wait3A_417 = tpu.memref_squeeze %dma_wait3A_416 : memref<1x200x64xf32, #tpu.memory_space<vmem>> -> memref<200x64xf32, #tpu.memory_space<vmem>>
      tpu.wait_dma2 semaphore(%dma_wait3A_409 : memref<!tpu.dma_semaphore, #tpu.memory_space<semaphore_mem>>) src(%dma_wait3A_417 : memref<200x64xf32, #tpu.memory_space<vmem>>) dst(%dma_wait3A_413 : memref<200x64xf32, #tpu.memory_space<hbm>>)
      %add3A_418 = arith.constant 1 : i32
      %add3A_419 = arith.addi %add3A_305, %add3A_418 : i32
      %mul3A_420 = arith.constant 2 : i32
      %mul3A_421 = arith.muli %add3A_419, %mul3A_420 : i32
      %add3A_422 = arith.constant 0 : i32
      %add3A_423 = arith.addi %mul3A_421, %add3A_422 : i32
      %dma_start3A_424 = arith.constant 0 : i32
      %dma_start3A_425 = arith.constant 0 : i32
      %dma_start3A_426 = arith.constant 0 : i32
      %dma_start3A_427 = arith.constant 0 : i32
      %dma_start3A_428 = tpu.memref_slice %arg6[%dma_start3A_424, %dma_start3A_426, %dma_start3A_427] : memref<4x200x64xf32, #tpu.memory_space<vmem>> -> memref<1x200x64xf32, #tpu.memory_space<vmem>>
      %dma_start3A_429 = tpu.memref_squeeze %dma_start3A_428 : memref<1x200x64xf32, #tpu.memory_space<vmem>> -> memref<200x64xf32, #tpu.memory_space<vmem>>
      %dma_start3A_430 = arith.constant 0 : i32
      %dma_start3A_431 = tpu.memref_slice %arg5[%add3A_423, %dma_start3A_430] : memref<128x200xi32, #tpu.memory_space<vmem>> -> memref<1x200xi32, #tpu.memory_space<vmem>>
      %dma_start3A_432 = tpu.memref_squeeze %dma_start3A_431 : memref<1x200xi32, #tpu.memory_space<vmem>> -> memref<200xi32, #tpu.memory_space<vmem>>
      %dma_start3A_433 = arith.constant 0 : i32
      %dma_start3A_434 = arith.constant 0 : i32
      %dma_start3A_435 = tpu.memref_slice %arg3[%dma_start3A_433, %dma_start3A_434] : memref<1000000x64xf32, #tpu.memory_space<hbm>> -> memref<1000000x64xf32, #tpu.memory_space<hbm>>
      %dma_start3A_436 = tpu.memref_slice %arg7[%dma_start3A_425] : memref<4x!tpu.dma_semaphore, #tpu.memory_space<semaphore_mem>> -> memref<1x!tpu.dma_semaphore, #tpu.memory_space<semaphore_mem>>
      %dma_start3A_437 = tpu.memref_squeeze %dma_start3A_436 : memref<1x!tpu.dma_semaphore, #tpu.memory_space<semaphore_mem>> -> memref<!tpu.dma_semaphore, #tpu.memory_space<semaphore_mem>>
      tpu.enqueue_indirect_dma source(%dma_start3A_435 : memref<1000000x64xf32, #tpu.memory_space<hbm>>) target(%dma_start3A_429 : memref<200x64xf32, #tpu.memory_space<vmem>>) offsets(%dma_start3A_432 : memref<200xi32, #tpu.memory_space<vmem>>) semaphore(%dma_start3A_437 : memref<!tpu.dma_semaphore, #tpu.memory_space<semaphore_mem>>)
      %sub3A_438 = arith.constant 1 : i32
      %sub3A_439 = arith.subi %add3A_305, %sub3A_438 : i32
      %mul3A_440 = arith.constant 2 : i32
      %mul3A_441 = arith.muli %sub3A_439, %mul3A_440 : i32
      %add3A_442 = arith.constant 1 : i32
      %add3A_443 = arith.addi %mul3A_441, %add3A_442 : i32
      %add3A_444 = arith.addi %mul3A_2, %add3A_443 : i32
      %dma_wait3A_445 = arith.constant 1 : i32
      %dma_wait3A_446 = arith.constant 1 : i32
      %dma_wait3A_447 = arith.constant 0 : i32
      %dma_wait3A_448 = arith.constant 0 : i32
      %dma_wait3A_449 = tpu.memref_slice %arg6[%dma_wait3A_445, %dma_wait3A_447, %dma_wait3A_448] : memref<4x200x64xf32, #tpu.memory_space<vmem>> -> memref<1x200x64xf32, #tpu.memory_space<vmem>>
      %dma_wait3A_450 = tpu.memref_squeeze %dma_wait3A_449 : memref<1x200x64xf32, #tpu.memory_space<vmem>> -> memref<200x64xf32, #tpu.memory_space<vmem>>
      %dma_wait3A_451 = arith.constant 0 : i32
      %dma_wait3A_452 = arith.constant 0 : i32
      %dma_wait3A_453 = tpu.memref_slice %arg4[%add3A_444, %dma_wait3A_451, %dma_wait3A_452] : memref<4096x200x64xf32, #tpu.memory_space<hbm>> -> memref<1x200x64xf32, #tpu.memory_space<hbm>>
      %dma_wait3A_454 = tpu.memref_squeeze %dma_wait3A_453 : memref<1x200x64xf32, #tpu.memory_space<hbm>> -> memref<200x64xf32, #tpu.memory_space<hbm>>
      %dma_wait3A_455 = tpu.memref_slice %arg8[%dma_wait3A_446] : memref<4x!tpu.dma_semaphore, #tpu.memory_space<semaphore_mem>> -> memref<1x!tpu.dma_semaphore, #tpu.memory_space<semaphore_mem>>
      %dma_wait3A_456 = tpu.memref_squeeze %dma_wait3A_455 : memref<1x!tpu.dma_semaphore, #tpu.memory_space<semaphore_mem>> -> memref<!tpu.dma_semaphore, #tpu.memory_space<semaphore_mem>>
      %dma_wait3A_457 = arith.constant 0 : i32
      %dma_wait3A_458 = arith.constant 0 : i32
      %dma_wait3A_459 = tpu.memref_slice %arg4[%add3A_444, %dma_wait3A_457, %dma_wait3A_458] : memref<4096x200x64xf32, #tpu.memory_space<hbm>> -> memref<1x200x64xf32, #tpu.memory_space<hbm>>
      %dma_wait3A_460 = tpu.memref_squeeze %dma_wait3A_459 : memref<1x200x64xf32, #tpu.memory_space<hbm>> -> memref<200x64xf32, #tpu.memory_space<hbm>>
      %dma_wait3A_461 = arith.constant 0 : i32
      %dma_wait3A_462 = arith.constant 0 : i32
      %dma_wait3A_463 = tpu.memref_slice %arg6[%dma_wait3A_445, %dma_wait3A_461, %dma_wait3A_462] : memref<4x200x64xf32, #tpu.memory_space<vmem>> -> memref<1x200x64xf32, #tpu.memory_space<vmem>>
      %dma_wait3A_464 = tpu.memref_squeeze %dma_wait3A_463 : memref<1x200x64xf32, #tpu.memory_space<vmem>> -> memref<200x64xf32, #tpu.memory_space<vmem>>
      tpu.wait_dma2 semaphore(%dma_wait3A_456 : memref<!tpu.dma_semaphore, #tpu.memory_space<semaphore_mem>>) src(%dma_wait3A_464 : memref<200x64xf32, #tpu.memory_space<vmem>>) dst(%dma_wait3A_460 : memref<200x64xf32, #tpu.memory_space<hbm>>)
      %add3A_465 = arith.constant 1 : i32
      %add3A_466 = arith.addi %add3A_305, %add3A_465 : i32
      %mul3A_467 = arith.constant 2 : i32
      %mul3A_468 = arith.muli %add3A_466, %mul3A_467 : i32
      %add3A_469 = arith.constant 1 : i32
      %add3A_470 = arith.addi %mul3A_468, %add3A_469 : i32
      %dma_start3A_471 = arith.constant 1 : i32
      %dma_start3A_472 = arith.constant 1 : i32
      %dma_start3A_473 = arith.constant 0 : i32
      %dma_start3A_474 = arith.constant 0 : i32
      %dma_start3A_475 = tpu.memref_slice %arg6[%dma_start3A_471, %dma_start3A_473, %dma_start3A_474] : memref<4x200x64xf32, #tpu.memory_space<vmem>> -> memref<1x200x64xf32, #tpu.memory_space<vmem>>
      %dma_start3A_476 = tpu.memref_squeeze %dma_start3A_475 : memref<1x200x64xf32, #tpu.memory_space<vmem>> -> memref<200x64xf32, #tpu.memory_space<vmem>>
      %dma_start3A_477 = arith.constant 0 : i32
      %dma_start3A_478 = tpu.memref_slice %arg5[%add3A_470, %dma_start3A_477] : memref<128x200xi32, #tpu.memory_space<vmem>> -> memref<1x200xi32, #tpu.memory_space<vmem>>
      %dma_start3A_479 = tpu.memref_squeeze %dma_start3A_478 : memref<1x200xi32, #tpu.memory_space<vmem>> -> memref<200xi32, #tpu.memory_space<vmem>>
      %dma_start3A_480 = arith.constant 0 : i32
      %dma_start3A_481 = arith.constant 0 : i32
      %dma_start3A_482 = tpu.memref_slice %arg3[%dma_start3A_480, %dma_start3A_481] : memref<1000000x64xf32, #tpu.memory_space<hbm>> -> memref<1000000x64xf32, #tpu.memory_space<hbm>>
      %dma_start3A_483 = tpu.memref_slice %arg7[%dma_start3A_472] : memref<4x!tpu.dma_semaphore, #tpu.memory_space<semaphore_mem>> -> memref<1x!tpu.dma_semaphore, #tpu.memory_space<semaphore_mem>>
      %dma_start3A_484 = tpu.memref_squeeze %dma_start3A_483 : memref<1x!tpu.dma_semaphore, #tpu.memory_space<semaphore_mem>> -> memref<!tpu.dma_semaphore, #tpu.memory_space<semaphore_mem>>
      tpu.enqueue_indirect_dma source(%dma_start3A_482 : memref<1000000x64xf32, #tpu.memory_space<hbm>>) target(%dma_start3A_476 : memref<200x64xf32, #tpu.memory_space<vmem>>) offsets(%dma_start3A_479 : memref<200xi32, #tpu.memory_space<vmem>>) semaphore(%dma_start3A_484 : memref<!tpu.dma_semaphore, #tpu.memory_space<semaphore_mem>>)
      %add3A_485 = arith.constant 1 : i32
      %add3A_486 = arith.addi %add3A_305, %add3A_485 : i32
      %mul3A_487 = arith.constant 2 : i32
      %mul3A_488 = arith.muli %add3A_486, %mul3A_487 : i32
      %add3A_489 = arith.constant 0 : i32
      %add3A_490 = arith.addi %mul3A_488, %add3A_489 : i32
      %dma_wait3A_491 = arith.constant 0 : i32
      %dma_wait3A_492 = arith.constant 0 : i32
      %dma_wait3A_493 = arith.constant 0 : i32
      %dma_wait3A_494 = arith.constant 0 : i32
      %dma_wait3A_495 = tpu.memref_slice %arg6[%dma_wait3A_491, %dma_wait3A_493, %dma_wait3A_494] : memref<4x200x64xf32, #tpu.memory_space<vmem>> -> memref<1x200x64xf32, #tpu.memory_space<vmem>>
      %dma_wait3A_496 = tpu.memref_squeeze %dma_wait3A_495 : memref<1x200x64xf32, #tpu.memory_space<vmem>> -> memref<200x64xf32, #tpu.memory_space<vmem>>
      %dma_wait3A_497 = arith.constant 0 : i32
      %dma_wait3A_498 = tpu.memref_slice %arg5[%add3A_490, %dma_wait3A_497] : memref<128x200xi32, #tpu.memory_space<vmem>> -> memref<1x200xi32, #tpu.memory_space<vmem>>
      %dma_wait3A_499 = tpu.memref_squeeze %dma_wait3A_498 : memref<1x200xi32, #tpu.memory_space<vmem>> -> memref<200xi32, #tpu.memory_space<vmem>>
      %dma_wait3A_500 = arith.constant 0 : i32
      %dma_wait3A_501 = arith.constant 0 : i32
      %dma_wait3A_502 = tpu.memref_slice %arg3[%dma_wait3A_500, %dma_wait3A_501] : memref<1000000x64xf32, #tpu.memory_space<hbm>> -> memref<1000000x64xf32, #tpu.memory_space<hbm>>
      %dma_wait3A_503 = tpu.memref_slice %arg7[%dma_wait3A_492] : memref<4x!tpu.dma_semaphore, #tpu.memory_space<semaphore_mem>> -> memref<1x!tpu.dma_semaphore, #tpu.memory_space<semaphore_mem>>
      %dma_wait3A_504 = tpu.memref_squeeze %dma_wait3A_503 : memref<1x!tpu.dma_semaphore, #tpu.memory_space<semaphore_mem>> -> memref<!tpu.dma_semaphore, #tpu.memory_space<semaphore_mem>>
      tpu.wait_indirect_dma semaphore(%dma_wait3A_504 : memref<!tpu.dma_semaphore, #tpu.memory_space<semaphore_mem>>) src(%dma_wait3A_502 : memref<1000000x64xf32, #tpu.memory_space<hbm>>) dst(%dma_wait3A_496 : memref<200x64xf32, #tpu.memory_space<vmem>>)
      %add3A_505 = arith.constant 1 : i32
      %add3A_506 = arith.addi %add3A_305, %add3A_505 : i32
      %mul3A_507 = arith.constant 2 : i32
      %mul3A_508 = arith.muli %add3A_506, %mul3A_507 : i32
      %add3A_509 = arith.constant 0 : i32
      %add3A_510 = arith.addi %mul3A_508, %add3A_509 : i32
      %add3A_511 = arith.addi %mul3A_2, %add3A_510 : i32
      %dma_start3A_512 = arith.constant 0 : i32
      %dma_start3A_513 = arith.constant 0 : i32
      %dma_start3A_514 = arith.constant 0 : i32
      %dma_start3A_515 = arith.constant 0 : i32
      %dma_start3A_516 = tpu.memref_slice %arg6[%dma_start3A_512, %dma_start3A_514, %dma_start3A_515] : memref<4x200x64xf32, #tpu.memory_space<vmem>> -> memref<1x200x64xf32, #tpu.memory_space<vmem>>
      %dma_start3A_517 = tpu.memref_squeeze %dma_start3A_516 : memref<1x200x64xf32, #tpu.memory_space<vmem>> -> memref<200x64xf32, #tpu.memory_space<vmem>>
      %dma_start3A_518 = arith.constant 0 : i32
      %dma_start3A_519 = arith.constant 0 : i32
      %dma_start3A_520 = tpu.memref_slice %arg4[%add3A_511, %dma_start3A_518, %dma_start3A_519] : memref<4096x200x64xf32, #tpu.memory_space<hbm>> -> memref<1x200x64xf32, #tpu.memory_space<hbm>>
      %dma_start3A_521 = tpu.memref_squeeze %dma_start3A_520 : memref<1x200x64xf32, #tpu.memory_space<hbm>> -> memref<200x64xf32, #tpu.memory_space<hbm>>
      %dma_start3A_522 = tpu.memref_slice %arg8[%dma_start3A_513] : memref<4x!tpu.dma_semaphore, #tpu.memory_space<semaphore_mem>> -> memref<1x!tpu.dma_semaphore, #tpu.memory_space<semaphore_mem>>
      %dma_start3A_523 = tpu.memref_squeeze %dma_start3A_522 : memref<1x!tpu.dma_semaphore, #tpu.memory_space<semaphore_mem>> -> memref<!tpu.dma_semaphore, #tpu.memory_space<semaphore_mem>>
      %dma_start3A_524 = arith.constant 0 : i32
      %dma_start3A_525 = arith.constant 0 : i32
      %dma_start3A_526 = tpu.memref_slice %arg4[%add3A_511, %dma_start3A_524, %dma_start3A_525] : memref<4096x200x64xf32, #tpu.memory_space<hbm>> -> memref<1x200x64xf32, #tpu.memory_space<hbm>>
      %dma_start3A_527 = tpu.memref_squeeze %dma_start3A_526 : memref<1x200x64xf32, #tpu.memory_space<hbm>> -> memref<200x64xf32, #tpu.memory_space<hbm>>
      %dma_start3A_528 = arith.constant 0 : i32
      %dma_start3A_529 = arith.constant 0 : i32
      %dma_start3A_530 = tpu.memref_slice %arg6[%dma_start3A_512, %dma_start3A_528, %dma_start3A_529] : memref<4x200x64xf32, #tpu.memory_space<vmem>> -> memref<1x200x64xf32, #tpu.memory_space<vmem>>
      %dma_start3A_531 = tpu.memref_squeeze %dma_start3A_530 : memref<1x200x64xf32, #tpu.memory_space<vmem>> -> memref<200x64xf32, #tpu.memory_space<vmem>>
      tpu.enqueue_dma source(%dma_start3A_531 : memref<200x64xf32, #tpu.memory_space<vmem>>) target(%dma_start3A_527 : memref<200x64xf32, #tpu.memory_space<hbm>>) target_semaphore(%dma_start3A_523 : memref<!tpu.dma_semaphore, #tpu.memory_space<semaphore_mem>>)
      %add3A_532 = arith.constant 1 : i32
      %add3A_533 = arith.addi %add3A_305, %add3A_532 : i32
      %mul3A_534 = arith.constant 2 : i32
      %mul3A_535 = arith.muli %add3A_533, %mul3A_534 : i32
      %add3A_536 = arith.constant 1 : i32
      %add3A_537 = arith.addi %mul3A_535, %add3A_536 : i32
      %dma_wait3A_538 = arith.constant 1 : i32
      %dma_wait3A_539 = arith.constant 1 : i32
      %dma_wait3A_540 = arith.constant 0 : i32
      %dma_wait3A_541 = arith.constant 0 : i32
      %dma_wait3A_542 = tpu.memref_slice %arg6[%dma_wait3A_538, %dma_wait3A_540, %dma_wait3A_541] : memref<4x200x64xf32, #tpu.memory_space<vmem>> -> memref<1x200x64xf32, #tpu.memory_space<vmem>>
      %dma_wait3A_543 = tpu.memref_squeeze %dma_wait3A_542 : memref<1x200x64xf32, #tpu.memory_space<vmem>> -> memref<200x64xf32, #tpu.memory_space<vmem>>
      %dma_wait3A_544 = arith.constant 0 : i32
      %dma_wait3A_545 = tpu.memref_slice %arg5[%add3A_537, %dma_wait3A_544] : memref<128x200xi32, #tpu.memory_space<vmem>> -> memref<1x200xi32, #tpu.memory_space<vmem>>
      %dma_wait3A_546 = tpu.memref_squeeze %dma_wait3A_545 : memref<1x200xi32, #tpu.memory_space<vmem>> -> memref<200xi32, #tpu.memory_space<vmem>>
      %dma_wait3A_547 = arith.constant 0 : i32
      %dma_wait3A_548 = arith.constant 0 : i32
      %dma_wait3A_549 = tpu.memref_slice %arg3[%dma_wait3A_547, %dma_wait3A_548] : memref<1000000x64xf32, #tpu.memory_space<hbm>> -> memref<1000000x64xf32, #tpu.memory_space<hbm>>
      %dma_wait3A_550 = tpu.memref_slice %arg7[%dma_wait3A_539] : memref<4x!tpu.dma_semaphore, #tpu.memory_space<semaphore_mem>> -> memref<1x!tpu.dma_semaphore, #tpu.memory_space<semaphore_mem>>
      %dma_wait3A_551 = tpu.memref_squeeze %dma_wait3A_550 : memref<1x!tpu.dma_semaphore, #tpu.memory_space<semaphore_mem>> -> memref<!tpu.dma_semaphore, #tpu.memory_space<semaphore_mem>>
      tpu.wait_indirect_dma semaphore(%dma_wait3A_551 : memref<!tpu.dma_semaphore, #tpu.memory_space<semaphore_mem>>) src(%dma_wait3A_549 : memref<1000000x64xf32, #tpu.memory_space<hbm>>) dst(%dma_wait3A_543 : memref<200x64xf32, #tpu.memory_space<vmem>>)
      %add3A_552 = arith.constant 1 : i32
      %add3A_553 = arith.addi %add3A_305, %add3A_552 : i32
      %mul3A_554 = arith.constant 2 : i32
      %mul3A_555 = arith.muli %add3A_553, %mul3A_554 : i32
      %add3A_556 = arith.constant 1 : i32
      %add3A_557 = arith.addi %mul3A_555, %add3A_556 : i32
      %add3A_558 = arith.addi %mul3A_2, %add3A_557 : i32
      %dma_start3A_559 = arith.constant 1 : i32
      %dma_start3A_560 = arith.constant 1 : i32
      %dma_start3A_561 = arith.constant 0 : i32
      %dma_start3A_562 = arith.constant 0 : i32
      %dma_start3A_563 = tpu.memref_slice %arg6[%dma_start3A_559, %dma_start3A_561, %dma_start3A_562] : memref<4x200x64xf32, #tpu.memory_space<vmem>> -> memref<1x200x64xf32, #tpu.memory_space<vmem>>
      %dma_start3A_564 = tpu.memref_squeeze %dma_start3A_563 : memref<1x200x64xf32, #tpu.memory_space<vmem>> -> memref<200x64xf32, #tpu.memory_space<vmem>>
      %dma_start3A_565 = arith.constant 0 : i32
      %dma_start3A_566 = arith.constant 0 : i32
      %dma_start3A_567 = tpu.memref_slice %arg4[%add3A_558, %dma_start3A_565, %dma_start3A_566] : memref<4096x200x64xf32, #tpu.memory_space<hbm>> -> memref<1x200x64xf32, #tpu.memory_space<hbm>>
      %dma_start3A_568 = tpu.memref_squeeze %dma_start3A_567 : memref<1x200x64xf32, #tpu.memory_space<hbm>> -> memref<200x64xf32, #tpu.memory_space<hbm>>
      %dma_start3A_569 = tpu.memref_slice %arg8[%dma_start3A_560] : memref<4x!tpu.dma_semaphore, #tpu.memory_space<semaphore_mem>> -> memref<1x!tpu.dma_semaphore, #tpu.memory_space<semaphore_mem>>
      %dma_start3A_570 = tpu.memref_squeeze %dma_start3A_569 : memref<1x!tpu.dma_semaphore, #tpu.memory_space<semaphore_mem>> -> memref<!tpu.dma_semaphore, #tpu.memory_space<semaphore_mem>>
      %dma_start3A_571 = arith.constant 0 : i32
      %dma_start3A_572 = arith.constant 0 : i32
      %dma_start3A_573 = tpu.memref_slice %arg4[%add3A_558, %dma_start3A_571, %dma_start3A_572] : memref<4096x200x64xf32, #tpu.memory_space<hbm>> -> memref<1x200x64xf32, #tpu.memory_space<hbm>>
      %dma_start3A_574 = tpu.memref_squeeze %dma_start3A_573 : memref<1x200x64xf32, #tpu.memory_space<hbm>> -> memref<200x64xf32, #tpu.memory_space<hbm>>
      %dma_start3A_575 = arith.constant 0 : i32
      %dma_start3A_576 = arith.constant 0 : i32
      %dma_start3A_577 = tpu.memref_slice %arg6[%dma_start3A_559, %dma_start3A_575, %dma_start3A_576] : memref<4x200x64xf32, #tpu.memory_space<vmem>> -> memref<1x200x64xf32, #tpu.memory_space<vmem>>
      %dma_start3A_578 = tpu.memref_squeeze %dma_start3A_577 : memref<1x200x64xf32, #tpu.memory_space<vmem>> -> memref<200x64xf32, #tpu.memory_space<vmem>>
      tpu.enqueue_dma source(%dma_start3A_578 : memref<200x64xf32, #tpu.memory_space<vmem>>) target(%dma_start3A_574 : memref<200x64xf32, #tpu.memory_space<hbm>>) target_semaphore(%dma_start3A_570 : memref<!tpu.dma_semaphore, #tpu.memory_space<semaphore_mem>>)
      %mul3A_579 = arith.constant 2 : i32
      %mul3A_580 = arith.muli %add3A_305, %mul3A_579 : i32
      %add3A_581 = arith.constant 0 : i32
      %add3A_582 = arith.addi %mul3A_580, %add3A_581 : i32
      %add3A_583 = arith.addi %mul3A_2, %add3A_582 : i32
      %dma_wait3A_584 = arith.constant 2 : i32
      %dma_wait3A_585 = arith.constant 2 : i32
      %dma_wait3A_586 = arith.constant 0 : i32
      %dma_wait3A_587 = arith.constant 0 : i32
      %dma_wait3A_588 = tpu.memref_slice %arg6[%dma_wait3A_584, %dma_wait3A_586, %dma_wait3A_587] : memref<4x200x64xf32, #tpu.memory_space<vmem>> -> memref<1x200x64xf32, #tpu.memory_space<vmem>>
      %dma_wait3A_589 = tpu.memref_squeeze %dma_wait3A_588 : memref<1x200x64xf32, #tpu.memory_space<vmem>> -> memref<200x64xf32, #tpu.memory_space<vmem>>
      %dma_wait3A_590 = arith.constant 0 : i32
      %dma_wait3A_591 = arith.constant 0 : i32
      %dma_wait3A_592 = tpu.memref_slice %arg4[%add3A_583, %dma_wait3A_590, %dma_wait3A_591] : memref<4096x200x64xf32, #tpu.memory_space<hbm>> -> memref<1x200x64xf32, #tpu.memory_space<hbm>>
      %dma_wait3A_593 = tpu.memref_squeeze %dma_wait3A_592 : memref<1x200x64xf32, #tpu.memory_space<hbm>> -> memref<200x64xf32, #tpu.memory_space<hbm>>
      %dma_wait3A_594 = tpu.memref_slice %arg8[%dma_wait3A_585] : memref<4x!tpu.dma_semaphore, #tpu.memory_space<semaphore_mem>> -> memref<1x!tpu.dma_semaphore, #tpu.memory_space<semaphore_mem>>
      %dma_wait3A_595 = tpu.memref_squeeze %dma_wait3A_594 : memref<1x!tpu.dma_semaphore, #tpu.memory_space<semaphore_mem>> -> memref<!tpu.dma_semaphore, #tpu.memory_space<semaphore_mem>>
      %dma_wait3A_596 = arith.constant 0 : i32
      %dma_wait3A_597 = arith.constant 0 : i32
      %dma_wait3A_598 = tpu.memref_slice %arg4[%add3A_583, %dma_wait3A_596, %dma_wait3A_597] : memref<4096x200x64xf32, #tpu.memory_space<hbm>> -> memref<1x200x64xf32, #tpu.memory_space<hbm>>
      %dma_wait3A_599 = tpu.memref_squeeze %dma_wait3A_598 : memref<1x200x64xf32, #tpu.memory_space<hbm>> -> memref<200x64xf32, #tpu.memory_space<hbm>>
      %dma_wait3A_600 = arith.constant 0 : i32
      %dma_wait3A_601 = arith.constant 0 : i32
      %dma_wait3A_602 = tpu.memref_slice %arg6[%dma_wait3A_584, %dma_wait3A_600, %dma_wait3A_601] : memref<4x200x64xf32, #tpu.memory_space<vmem>> -> memref<1x200x64xf32, #tpu.memory_space<vmem>>
      %dma_wait3A_603 = tpu.memref_squeeze %dma_wait3A_602 : memref<1x200x64xf32, #tpu.memory_space<vmem>> -> memref<200x64xf32, #tpu.memory_space<vmem>>
      tpu.wait_dma2 semaphore(%dma_wait3A_595 : memref<!tpu.dma_semaphore, #tpu.memory_space<semaphore_mem>>) src(%dma_wait3A_603 : memref<200x64xf32, #tpu.memory_space<vmem>>) dst(%dma_wait3A_599 : memref<200x64xf32, #tpu.memory_space<hbm>>)
      %add3A_604 = arith.constant 2 : i32
      %add3A_605 = arith.addi %add3A_305, %add3A_604 : i32
      %mul3A_606 = arith.constant 2 : i32
      %mul3A_607 = arith.muli %add3A_605, %mul3A_606 : i32
      %add3A_608 = arith.constant 0 : i32
      %add3A_609 = arith.addi %mul3A_607, %add3A_608 : i32
      %dma_start3A_610 = arith.constant 2 : i32
      %dma_start3A_611 = arith.constant 2 : i32
      %dma_start3A_612 = arith.constant 0 : i32
      %dma_start3A_613 = arith.constant 0 : i32
      %dma_start3A_614 = tpu.memref_slice %arg6[%dma_start3A_610, %dma_start3A_612, %dma_start3A_613] : memref<4x200x64xf32, #tpu.memory_space<vmem>> -> memref<1x200x64xf32, #tpu.memory_space<vmem>>
      %dma_start3A_615 = tpu.memref_squeeze %dma_start3A_614 : memref<1x200x64xf32, #tpu.memory_space<vmem>> -> memref<200x64xf32, #tpu.memory_space<vmem>>
      %dma_start3A_616 = arith.constant 0 : i32
      %dma_start3A_617 = tpu.memref_slice %arg5[%add3A_609, %dma_start3A_616] : memref<128x200xi32, #tpu.memory_space<vmem>> -> memref<1x200xi32, #tpu.memory_space<vmem>>
      %dma_start3A_618 = tpu.memref_squeeze %dma_start3A_617 : memref<1x200xi32, #tpu.memory_space<vmem>> -> memref<200xi32, #tpu.memory_space<vmem>>
      %dma_start3A_619 = arith.constant 0 : i32
      %dma_start3A_620 = arith.constant 0 : i32
      %dma_start3A_621 = tpu.memref_slice %arg3[%dma_start3A_619, %dma_start3A_620] : memref<1000000x64xf32, #tpu.memory_space<hbm>> -> memref<1000000x64xf32, #tpu.memory_space<hbm>>
      %dma_start3A_622 = tpu.memref_slice %arg7[%dma_start3A_611] : memref<4x!tpu.dma_semaphore, #tpu.memory_space<semaphore_mem>> -> memref<1x!tpu.dma_semaphore, #tpu.memory_space<semaphore_mem>>
      %dma_start3A_623 = tpu.memref_squeeze %dma_start3A_622 : memref<1x!tpu.dma_semaphore, #tpu.memory_space<semaphore_mem>> -> memref<!tpu.dma_semaphore, #tpu.memory_space<semaphore_mem>>
      tpu.enqueue_indirect_dma source(%dma_start3A_621 : memref<1000000x64xf32, #tpu.memory_space<hbm>>) target(%dma_start3A_615 : memref<200x64xf32, #tpu.memory_space<vmem>>) offsets(%dma_start3A_618 : memref<200xi32, #tpu.memory_space<vmem>>) semaphore(%dma_start3A_623 : memref<!tpu.dma_semaphore, #tpu.memory_space<semaphore_mem>>)
      %mul3A_624 = arith.constant 2 : i32
      %mul3A_625 = arith.muli %add3A_305, %mul3A_624 : i32
      %add3A_626 = arith.constant 1 : i32
      %add3A_627 = arith.addi %mul3A_625, %add3A_626 : i32
      %add3A_628 = arith.addi %mul3A_2, %add3A_627 : i32
      %dma_wait3A_629 = arith.constant 3 : i32
      %dma_wait3A_630 = arith.constant 3 : i32
      %dma_wait3A_631 = arith.constant 0 : i32
      %dma_wait3A_632 = arith.constant 0 : i32
      %dma_wait3A_633 = tpu.memref_slice %arg6[%dma_wait3A_629, %dma_wait3A_631, %dma_wait3A_632] : memref<4x200x64xf32, #tpu.memory_space<vmem>> -> memref<1x200x64xf32, #tpu.memory_space<vmem>>
      %dma_wait3A_634 = tpu.memref_squeeze %dma_wait3A_633 : memref<1x200x64xf32, #tpu.memory_space<vmem>> -> memref<200x64xf32, #tpu.memory_space<vmem>>
      %dma_wait3A_635 = arith.constant 0 : i32
      %dma_wait3A_636 = arith.constant 0 : i32
      %dma_wait3A_637 = tpu.memref_slice %arg4[%add3A_628, %dma_wait3A_635, %dma_wait3A_636] : memref<4096x200x64xf32, #tpu.memory_space<hbm>> -> memref<1x200x64xf32, #tpu.memory_space<hbm>>
      %dma_wait3A_638 = tpu.memref_squeeze %dma_wait3A_637 : memref<1x200x64xf32, #tpu.memory_space<hbm>> -> memref<200x64xf32, #tpu.memory_space<hbm>>
      %dma_wait3A_639 = tpu.memref_slice %arg8[%dma_wait3A_630] : memref<4x!tpu.dma_semaphore, #tpu.memory_space<semaphore_mem>> -> memref<1x!tpu.dma_semaphore, #tpu.memory_space<semaphore_mem>>
      %dma_wait3A_640 = tpu.memref_squeeze %dma_wait3A_639 : memref<1x!tpu.dma_semaphore, #tpu.memory_space<semaphore_mem>> -> memref<!tpu.dma_semaphore, #tpu.memory_space<semaphore_mem>>
      %dma_wait3A_641 = arith.constant 0 : i32
      %dma_wait3A_642 = arith.constant 0 : i32
      %dma_wait3A_643 = tpu.memref_slice %arg4[%add3A_628, %dma_wait3A_641, %dma_wait3A_642] : memref<4096x200x64xf32, #tpu.memory_space<hbm>> -> memref<1x200x64xf32, #tpu.memory_space<hbm>>
      %dma_wait3A_644 = tpu.memref_squeeze %dma_wait3A_643 : memref<1x200x64xf32, #tpu.memory_space<hbm>> -> memref<200x64xf32, #tpu.memory_space<hbm>>
      %dma_wait3A_645 = arith.constant 0 : i32
      %dma_wait3A_646 = arith.constant 0 : i32
      %dma_wait3A_647 = tpu.memref_slice %arg6[%dma_wait3A_629, %dma_wait3A_645, %dma_wait3A_646] : memref<4x200x64xf32, #tpu.memory_space<vmem>> -> memref<1x200x64xf32, #tpu.memory_space<vmem>>
      %dma_wait3A_648 = tpu.memref_squeeze %dma_wait3A_647 : memref<1x200x64xf32, #tpu.memory_space<vmem>> -> memref<200x64xf32, #tpu.memory_space<vmem>>
      tpu.wait_dma2 semaphore(%dma_wait3A_640 : memref<!tpu.dma_semaphore, #tpu.memory_space<semaphore_mem>>) src(%dma_wait3A_648 : memref<200x64xf32, #tpu.memory_space<vmem>>) dst(%dma_wait3A_644 : memref<200x64xf32, #tpu.memory_space<hbm>>)
      %add3A_649 = arith.constant 2 : i32
      %add3A_650 = arith.addi %add3A_305, %add3A_649 : i32
      %mul3A_651 = arith.constant 2 : i32
      %mul3A_652 = arith.muli %add3A_650, %mul3A_651 : i32
      %add3A_653 = arith.constant 1 : i32
      %add3A_654 = arith.addi %mul3A_652, %add3A_653 : i32
      %dma_start3A_655 = arith.constant 3 : i32
      %dma_start3A_656 = arith.constant 3 : i32
      %dma_start3A_657 = arith.constant 0 : i32
      %dma_start3A_658 = arith.constant 0 : i32
      %dma_start3A_659 = tpu.memref_slice %arg6[%dma_start3A_655, %dma_start3A_657, %dma_start3A_658] : memref<4x200x64xf32, #tpu.memory_space<vmem>> -> memref<1x200x64xf32, #tpu.memory_space<vmem>>
      %dma_start3A_660 = tpu.memref_squeeze %dma_start3A_659 : memref<1x200x64xf32, #tpu.memory_space<vmem>> -> memref<200x64xf32, #tpu.memory_space<vmem>>
      %dma_start3A_661 = arith.constant 0 : i32
      %dma_start3A_662 = tpu.memref_slice %arg5[%add3A_654, %dma_start3A_661] : memref<128x200xi32, #tpu.memory_space<vmem>> -> memref<1x200xi32, #tpu.memory_space<vmem>>
      %dma_start3A_663 = tpu.memref_squeeze %dma_start3A_662 : memref<1x200xi32, #tpu.memory_space<vmem>> -> memref<200xi32, #tpu.memory_space<vmem>>
      %dma_start3A_664 = arith.constant 0 : i32
      %dma_start3A_665 = arith.constant 0 : i32
      %dma_start3A_666 = tpu.memref_slice %arg3[%dma_start3A_664, %dma_start3A_665] : memref<1000000x64xf32, #tpu.memory_space<hbm>> -> memref<1000000x64xf32, #tpu.memory_space<hbm>>
      %dma_start3A_667 = tpu.memref_slice %arg7[%dma_start3A_656] : memref<4x!tpu.dma_semaphore, #tpu.memory_space<semaphore_mem>> -> memref<1x!tpu.dma_semaphore, #tpu.memory_space<semaphore_mem>>
      %dma_start3A_668 = tpu.memref_squeeze %dma_start3A_667 : memref<1x!tpu.dma_semaphore, #tpu.memory_space<semaphore_mem>> -> memref<!tpu.dma_semaphore, #tpu.memory_space<semaphore_mem>>
      tpu.enqueue_indirect_dma source(%dma_start3A_666 : memref<1000000x64xf32, #tpu.memory_space<hbm>>) target(%dma_start3A_660 : memref<200x64xf32, #tpu.memory_space<vmem>>) offsets(%dma_start3A_663 : memref<200xi32, #tpu.memory_space<vmem>>) semaphore(%dma_start3A_668 : memref<!tpu.dma_semaphore, #tpu.memory_space<semaphore_mem>>)
    }
    %scan3A_138 = arith.constant 31 : i32
    %dma_wait3A_139 = arith.constant 126 : i32
    %dma_wait3A_140 = arith.constant 2 : i32
    %dma_wait3A_141 = arith.constant 2 : i32
    %dma_wait3A_142 = arith.constant 0 : i32
    %dma_wait3A_143 = arith.constant 0 : i32
    %dma_wait3A_144 = tpu.memref_slice %arg6[%dma_wait3A_140, %dma_wait3A_142, %dma_wait3A_143] : memref<4x200x64xf32, #tpu.memory_space<vmem>> -> memref<1x200x64xf32, #tpu.memory_space<vmem>>
    %dma_wait3A_145 = tpu.memref_squeeze %dma_wait3A_144 : memref<1x200x64xf32, #tpu.memory_space<vmem>> -> memref<200x64xf32, #tpu.memory_space<vmem>>
    %dma_wait3A_146 = arith.constant 0 : i32
    %dma_wait3A_147 = tpu.memref_slice %arg5[%dma_wait3A_139, %dma_wait3A_146] : memref<128x200xi32, #tpu.memory_space<vmem>> -> memref<1x200xi32, #tpu.memory_space<vmem>>
    %dma_wait3A_148 = tpu.memref_squeeze %dma_wait3A_147 : memref<1x200xi32, #tpu.memory_space<vmem>> -> memref<200xi32, #tpu.memory_space<vmem>>
    %dma_wait3A_149 = arith.constant 0 : i32
    %dma_wait3A_150 = arith.constant 0 : i32
    %dma_wait3A_151 = tpu.memref_slice %arg3[%dma_wait3A_149, %dma_wait3A_150] : memref<1000000x64xf32, #tpu.memory_space<hbm>> -> memref<1000000x64xf32, #tpu.memory_space<hbm>>
    %dma_wait3A_152 = tpu.memref_slice %arg7[%dma_wait3A_141] : memref<4x!tpu.dma_semaphore, #tpu.memory_space<semaphore_mem>> -> memref<1x!tpu.dma_semaphore, #tpu.memory_space<semaphore_mem>>
    %dma_wait3A_153 = tpu.memref_squeeze %dma_wait3A_152 : memref<1x!tpu.dma_semaphore, #tpu.memory_space<semaphore_mem>> -> memref<!tpu.dma_semaphore, #tpu.memory_space<semaphore_mem>>
    tpu.wait_indirect_dma semaphore(%dma_wait3A_153 : memref<!tpu.dma_semaphore, #tpu.memory_space<semaphore_mem>>) src(%dma_wait3A_151 : memref<1000000x64xf32, #tpu.memory_space<hbm>>) dst(%dma_wait3A_145 : memref<200x64xf32, #tpu.memory_space<vmem>>)
    %add3A_154 = arith.constant 126 : i32
    %add3A_155 = arith.addi %mul3A_2, %add3A_154 : i32
    %dma_start3A_156 = arith.constant 2 : i32
    %dma_start3A_157 = arith.constant 2 : i32
    %dma_start3A_158 = arith.constant 0 : i32
    %dma_start3A_159 = arith.constant 0 : i32
    %dma_start3A_160 = tpu.memref_slice %arg6[%dma_start3A_156, %dma_start3A_158, %dma_start3A_159] : memref<4x200x64xf32, #tpu.memory_space<vmem>> -> memref<1x200x64xf32, #tpu.memory_space<vmem>>
    %dma_start3A_161 = tpu.memref_squeeze %dma_start3A_160 : memref<1x200x64xf32, #tpu.memory_space<vmem>> -> memref<200x64xf32, #tpu.memory_space<vmem>>
    %dma_start3A_162 = arith.constant 0 : i32
    %dma_start3A_163 = arith.constant 0 : i32
    %dma_start3A_164 = tpu.memref_slice %arg4[%add3A_155, %dma_start3A_162, %dma_start3A_163] : memref<4096x200x64xf32, #tpu.memory_space<hbm>> -> memref<1x200x64xf32, #tpu.memory_space<hbm>>
    %dma_start3A_165 = tpu.memref_squeeze %dma_start3A_164 : memref<1x200x64xf32, #tpu.memory_space<hbm>> -> memref<200x64xf32, #tpu.memory_space<hbm>>
    %dma_start3A_166 = tpu.memref_slice %arg8[%dma_start3A_157] : memref<4x!tpu.dma_semaphore, #tpu.memory_space<semaphore_mem>> -> memref<1x!tpu.dma_semaphore, #tpu.memory_space<semaphore_mem>>
    %dma_start3A_167 = tpu.memref_squeeze %dma_start3A_166 : memref<1x!tpu.dma_semaphore, #tpu.memory_space<semaphore_mem>> -> memref<!tpu.dma_semaphore, #tpu.memory_space<semaphore_mem>>
    %dma_start3A_168 = arith.constant 0 : i32
    %dma_start3A_169 = arith.constant 0 : i32
    %dma_start3A_170 = tpu.memref_slice %arg4[%add3A_155, %dma_start3A_168, %dma_start3A_169] : memref<4096x200x64xf32, #tpu.memory_space<hbm>> -> memref<1x200x64xf32, #tpu.memory_space<hbm>>
    %dma_start3A_171 = tpu.memref_squeeze %dma_start3A_170 : memref<1x200x64xf32, #tpu.memory_space<hbm>> -> memref<200x64xf32, #tpu.memory_space<hbm>>
    %dma_start3A_172 = arith.constant 0 : i32
    %dma_start3A_173 = arith.constant 0 : i32
    %dma_start3A_174 = tpu.memref_slice %arg6[%dma_start3A_156, %dma_start3A_172, %dma_start3A_173] : memref<4x200x64xf32, #tpu.memory_space<vmem>> -> memref<1x200x64xf32, #tpu.memory_space<vmem>>
    %dma_start3A_175 = tpu.memref_squeeze %dma_start3A_174 : memref<1x200x64xf32, #tpu.memory_space<vmem>> -> memref<200x64xf32, #tpu.memory_space<vmem>>
    tpu.enqueue_dma source(%dma_start3A_175 : memref<200x64xf32, #tpu.memory_space<vmem>>) target(%dma_start3A_171 : memref<200x64xf32, #tpu.memory_space<hbm>>) target_semaphore(%dma_start3A_167 : memref<!tpu.dma_semaphore, #tpu.memory_space<semaphore_mem>>)
    %dma_wait3A_176 = arith.constant 127 : i32
    %dma_wait3A_177 = arith.constant 3 : i32
    %dma_wait3A_178 = arith.constant 3 : i32
    %dma_wait3A_179 = arith.constant 0 : i32
    %dma_wait3A_180 = arith.constant 0 : i32
    %dma_wait3A_181 = tpu.memref_slice %arg6[%dma_wait3A_177, %dma_wait3A_179, %dma_wait3A_180] : memref<4x200x64xf32, #tpu.memory_space<vmem>> -> memref<1x200x64xf32, #tpu.memory_space<vmem>>
    %dma_wait3A_182 = tpu.memref_squeeze %dma_wait3A_181 : memref<1x200x64xf32, #tpu.memory_space<vmem>> -> memref<200x64xf32, #tpu.memory_space<vmem>>
    %dma_wait3A_183 = arith.constant 0 : i32
    %dma_wait3A_184 = tpu.memref_slice %arg5[%dma_wait3A_176, %dma_wait3A_183] : memref<128x200xi32, #tpu.memory_space<vmem>> -> memref<1x200xi32, #tpu.memory_space<vmem>>
    %dma_wait3A_185 = tpu.memref_squeeze %dma_wait3A_184 : memref<1x200xi32, #tpu.memory_space<vmem>> -> memref<200xi32, #tpu.memory_space<vmem>>
    %dma_wait3A_186 = arith.constant 0 : i32
    %dma_wait3A_187 = arith.constant 0 : i32
    %dma_wait3A_188 = tpu.memref_slice %arg3[%dma_wait3A_186, %dma_wait3A_187] : memref<1000000x64xf32, #tpu.memory_space<hbm>> -> memref<1000000x64xf32, #tpu.memory_space<hbm>>
    %dma_wait3A_189 = tpu.memref_slice %arg7[%dma_wait3A_178] : memref<4x!tpu.dma_semaphore, #tpu.memory_space<semaphore_mem>> -> memref<1x!tpu.dma_semaphore, #tpu.memory_space<semaphore_mem>>
    %dma_wait3A_190 = tpu.memref_squeeze %dma_wait3A_189 : memref<1x!tpu.dma_semaphore, #tpu.memory_space<semaphore_mem>> -> memref<!tpu.dma_semaphore, #tpu.memory_space<semaphore_mem>>
    tpu.wait_indirect_dma semaphore(%dma_wait3A_190 : memref<!tpu.dma_semaphore, #tpu.memory_space<semaphore_mem>>) src(%dma_wait3A_188 : memref<1000000x64xf32, #tpu.memory_space<hbm>>) dst(%dma_wait3A_182 : memref<200x64xf32, #tpu.memory_space<vmem>>)
    %add3A_191 = arith.constant 127 : i32
    %add3A_192 = arith.addi %mul3A_2, %add3A_191 : i32
    %dma_start3A_193 = arith.constant 3 : i32
    %dma_start3A_194 = arith.constant 3 : i32
    %dma_start3A_195 = arith.constant 0 : i32
    %dma_start3A_196 = arith.constant 0 : i32
    %dma_start3A_197 = tpu.memref_slice %arg6[%dma_start3A_193, %dma_start3A_195, %dma_start3A_196] : memref<4x200x64xf32, #tpu.memory_space<vmem>> -> memref<1x200x64xf32, #tpu.memory_space<vmem>>
    %dma_start3A_198 = tpu.memref_squeeze %dma_start3A_197 : memref<1x200x64xf32, #tpu.memory_space<vmem>> -> memref<200x64xf32, #tpu.memory_space<vmem>>
    %dma_start3A_199 = arith.constant 0 : i32
    %dma_start3A_200 = arith.constant 0 : i32
    %dma_start3A_201 = tpu.memref_slice %arg4[%add3A_192, %dma_start3A_199, %dma_start3A_200] : memref<4096x200x64xf32, #tpu.memory_space<hbm>> -> memref<1x200x64xf32, #tpu.memory_space<hbm>>
    %dma_start3A_202 = tpu.memref_squeeze %dma_start3A_201 : memref<1x200x64xf32, #tpu.memory_space<hbm>> -> memref<200x64xf32, #tpu.memory_space<hbm>>
    %dma_start3A_203 = tpu.memref_slice %arg8[%dma_start3A_194] : memref<4x!tpu.dma_semaphore, #tpu.memory_space<semaphore_mem>> -> memref<1x!tpu.dma_semaphore, #tpu.memory_space<semaphore_mem>>
    %dma_start3A_204 = tpu.memref_squeeze %dma_start3A_203 : memref<1x!tpu.dma_semaphore, #tpu.memory_space<semaphore_mem>> -> memref<!tpu.dma_semaphore, #tpu.memory_space<semaphore_mem>>
    %dma_start3A_205 = arith.constant 0 : i32
    %dma_start3A_206 = arith.constant 0 : i32
    %dma_start3A_207 = tpu.memref_slice %arg4[%add3A_192, %dma_start3A_205, %dma_start3A_206] : memref<4096x200x64xf32, #tpu.memory_space<hbm>> -> memref<1x200x64xf32, #tpu.memory_space<hbm>>
    %dma_start3A_208 = tpu.memref_squeeze %dma_start3A_207 : memref<1x200x64xf32, #tpu.memory_space<hbm>> -> memref<200x64xf32, #tpu.memory_space<hbm>>
    %dma_start3A_209 = arith.constant 0 : i32
    %dma_start3A_210 = arith.constant 0 : i32
    %dma_start3A_211 = tpu.memref_slice %arg6[%dma_start3A_193, %dma_start3A_209, %dma_start3A_210] : memref<4x200x64xf32, #tpu.memory_space<vmem>> -> memref<1x200x64xf32, #tpu.memory_space<vmem>>
    %dma_start3A_212 = tpu.memref_squeeze %dma_start3A_211 : memref<1x200x64xf32, #tpu.memory_space<vmem>> -> memref<200x64xf32, #tpu.memory_space<vmem>>
    tpu.enqueue_dma source(%dma_start3A_212 : memref<200x64xf32, #tpu.memory_space<vmem>>) target(%dma_start3A_208 : memref<200x64xf32, #tpu.memory_space<hbm>>) target_semaphore(%dma_start3A_204 : memref<!tpu.dma_semaphore, #tpu.memory_space<semaphore_mem>>)
    %add3A_213 = arith.constant 124 : i32
    %add3A_214 = arith.addi %mul3A_2, %add3A_213 : i32
    %dma_wait3A_215 = arith.constant 0 : i32
    %dma_wait3A_216 = arith.constant 0 : i32
    %dma_wait3A_217 = arith.constant 0 : i32
    %dma_wait3A_218 = arith.constant 0 : i32
    %dma_wait3A_219 = tpu.memref_slice %arg6[%dma_wait3A_215, %dma_wait3A_217, %dma_wait3A_218] : memref<4x200x64xf32, #tpu.memory_space<vmem>> -> memref<1x200x64xf32, #tpu.memory_space<vmem>>
    %dma_wait3A_220 = tpu.memref_squeeze %dma_wait3A_219 : memref<1x200x64xf32, #tpu.memory_space<vmem>> -> memref<200x64xf32, #tpu.memory_space<vmem>>
    %dma_wait3A_221 = arith.constant 0 : i32
    %dma_wait3A_222 = arith.constant 0 : i32
    %dma_wait3A_223 = tpu.memref_slice %arg4[%add3A_214, %dma_wait3A_221, %dma_wait3A_222] : memref<4096x200x64xf32, #tpu.memory_space<hbm>> -> memref<1x200x64xf32, #tpu.memory_space<hbm>>
    %dma_wait3A_224 = tpu.memref_squeeze %dma_wait3A_223 : memref<1x200x64xf32, #tpu.memory_space<hbm>> -> memref<200x64xf32, #tpu.memory_space<hbm>>
    %dma_wait3A_225 = tpu.memref_slice %arg8[%dma_wait3A_216] : memref<4x!tpu.dma_semaphore, #tpu.memory_space<semaphore_mem>> -> memref<1x!tpu.dma_semaphore, #tpu.memory_space<semaphore_mem>>
    %dma_wait3A_226 = tpu.memref_squeeze %dma_wait3A_225 : memref<1x!tpu.dma_semaphore, #tpu.memory_space<semaphore_mem>> -> memref<!tpu.dma_semaphore, #tpu.memory_space<semaphore_mem>>
    %dma_wait3A_227 = arith.constant 0 : i32
    %dma_wait3A_228 = arith.constant 0 : i32
    %dma_wait3A_229 = tpu.memref_slice %arg4[%add3A_214, %dma_wait3A_227, %dma_wait3A_228] : memref<4096x200x64xf32, #tpu.memory_space<hbm>> -> memref<1x200x64xf32, #tpu.memory_space<hbm>>
    %dma_wait3A_230 = tpu.memref_squeeze %dma_wait3A_229 : memref<1x200x64xf32, #tpu.memory_space<hbm>> -> memref<200x64xf32, #tpu.memory_space<hbm>>
    %dma_wait3A_231 = arith.constant 0 : i32
    %dma_wait3A_232 = arith.constant 0 : i32
    %dma_wait3A_233 = tpu.memref_slice %arg6[%dma_wait3A_215, %dma_wait3A_231, %dma_wait3A_232] : memref<4x200x64xf32, #tpu.memory_space<vmem>> -> memref<1x200x64xf32, #tpu.memory_space<vmem>>
    %dma_wait3A_234 = tpu.memref_squeeze %dma_wait3A_233 : memref<1x200x64xf32, #tpu.memory_space<vmem>> -> memref<200x64xf32, #tpu.memory_space<vmem>>
    tpu.wait_dma2 semaphore(%dma_wait3A_226 : memref<!tpu.dma_semaphore, #tpu.memory_space<semaphore_mem>>) src(%dma_wait3A_234 : memref<200x64xf32, #tpu.memory_space<vmem>>) dst(%dma_wait3A_230 : memref<200x64xf32, #tpu.memory_space<hbm>>)
    %add3A_235 = arith.constant 125 : i32
    %add3A_236 = arith.addi %mul3A_2, %add3A_235 : i32
    %dma_wait3A_237 = arith.constant 1 : i32
    %dma_wait3A_238 = arith.constant 1 : i32
    %dma_wait3A_239 = arith.constant 0 : i32
    %dma_wait3A_240 = arith.constant 0 : i32
    %dma_wait3A_241 = tpu.memref_slice %arg6[%dma_wait3A_237, %dma_wait3A_239, %dma_wait3A_240] : memref<4x200x64xf32, #tpu.memory_space<vmem>> -> memref<1x200x64xf32, #tpu.memory_space<vmem>>
    %dma_wait3A_242 = tpu.memref_squeeze %dma_wait3A_241 : memref<1x200x64xf32, #tpu.memory_space<vmem>> -> memref<200x64xf32, #tpu.memory_space<vmem>>
    %dma_wait3A_243 = arith.constant 0 : i32
    %dma_wait3A_244 = arith.constant 0 : i32
    %dma_wait3A_245 = tpu.memref_slice %arg4[%add3A_236, %dma_wait3A_243, %dma_wait3A_244] : memref<4096x200x64xf32, #tpu.memory_space<hbm>> -> memref<1x200x64xf32, #tpu.memory_space<hbm>>
    %dma_wait3A_246 = tpu.memref_squeeze %dma_wait3A_245 : memref<1x200x64xf32, #tpu.memory_space<hbm>> -> memref<200x64xf32, #tpu.memory_space<hbm>>
    %dma_wait3A_247 = tpu.memref_slice %arg8[%dma_wait3A_238] : memref<4x!tpu.dma_semaphore, #tpu.memory_space<semaphore_mem>> -> memref<1x!tpu.dma_semaphore, #tpu.memory_space<semaphore_mem>>
    %dma_wait3A_248 = tpu.memref_squeeze %dma_wait3A_247 : memref<1x!tpu.dma_semaphore, #tpu.memory_space<semaphore_mem>> -> memref<!tpu.dma_semaphore, #tpu.memory_space<semaphore_mem>>
    %dma_wait3A_249 = arith.constant 0 : i32
    %dma_wait3A_250 = arith.constant 0 : i32
    %dma_wait3A_251 = tpu.memref_slice %arg4[%add3A_236, %dma_wait3A_249, %dma_wait3A_250] : memref<4096x200x64xf32, #tpu.memory_space<hbm>> -> memref<1x200x64xf32, #tpu.memory_space<hbm>>
    %dma_wait3A_252 = tpu.memref_squeeze %dma_wait3A_251 : memref<1x200x64xf32, #tpu.memory_space<hbm>> -> memref<200x64xf32, #tpu.memory_space<hbm>>
    %dma_wait3A_253 = arith.constant 0 : i32
    %dma_wait3A_254 = arith.constant 0 : i32
    %dma_wait3A_255 = tpu.memref_slice %arg6[%dma_wait3A_237, %dma_wait3A_253, %dma_wait3A_254] : memref<4x200x64xf32, #tpu.memory_space<vmem>> -> memref<1x200x64xf32, #tpu.memory_space<vmem>>
    %dma_wait3A_256 = tpu.memref_squeeze %dma_wait3A_255 : memref<1x200x64xf32, #tpu.memory_space<vmem>> -> memref<200x64xf32, #tpu.memory_space<vmem>>
    tpu.wait_dma2 semaphore(%dma_wait3A_248 : memref<!tpu.dma_semaphore, #tpu.memory_space<semaphore_mem>>) src(%dma_wait3A_256 : memref<200x64xf32, #tpu.memory_space<vmem>>) dst(%dma_wait3A_252 : memref<200x64xf32, #tpu.memory_space<hbm>>)
    %add3A_257 = arith.constant 126 : i32
    %add3A_258 = arith.addi %mul3A_2, %add3A_257 : i32
    %dma_wait3A_259 = arith.constant 2 : i32
    %dma_wait3A_260 = arith.constant 2 : i32
    %dma_wait3A_261 = arith.constant 0 : i32
    %dma_wait3A_262 = arith.constant 0 : i32
    %dma_wait3A_263 = tpu.memref_slice %arg6[%dma_wait3A_259, %dma_wait3A_261, %dma_wait3A_262] : memref<4x200x64xf32, #tpu.memory_space<vmem>> -> memref<1x200x64xf32, #tpu.memory_space<vmem>>
    %dma_wait3A_264 = tpu.memref_squeeze %dma_wait3A_263 : memref<1x200x64xf32, #tpu.memory_space<vmem>> -> memref<200x64xf32, #tpu.memory_space<vmem>>
    %dma_wait3A_265 = arith.constant 0 : i32
    %dma_wait3A_266 = arith.constant 0 : i32
    %dma_wait3A_267 = tpu.memref_slice %arg4[%add3A_258, %dma_wait3A_265, %dma_wait3A_266] : memref<4096x200x64xf32, #tpu.memory_space<hbm>> -> memref<1x200x64xf32, #tpu.memory_space<hbm>>
    %dma_wait3A_268 = tpu.memref_squeeze %dma_wait3A_267 : memref<1x200x64xf32, #tpu.memory_space<hbm>> -> memref<200x64xf32, #tpu.memory_space<hbm>>
    %dma_wait3A_269 = tpu.memref_slice %arg8[%dma_wait3A_260] : memref<4x!tpu.dma_semaphore, #tpu.memory_space<semaphore_mem>> -> memref<1x!tpu.dma_semaphore, #tpu.memory_space<semaphore_mem>>
    %dma_wait3A_270 = tpu.memref_squeeze %dma_wait3A_269 : memref<1x!tpu.dma_semaphore, #tpu.memory_space<semaphore_mem>> -> memref<!tpu.dma_semaphore, #tpu.memory_space<semaphore_mem>>
    %dma_wait3A_271 = arith.constant 0 : i32
    %dma_wait3A_272 = arith.constant 0 : i32
    %dma_wait3A_273 = tpu.memref_slice %arg4[%add3A_258, %dma_wait3A_271, %dma_wait3A_272] : memref<4096x200x64xf32, #tpu.memory_space<hbm>> -> memref<1x200x64xf32, #tpu.memory_space<hbm>>
    %dma_wait3A_274 = tpu.memref_squeeze %dma_wait3A_273 : memref<1x200x64xf32, #tpu.memory_space<hbm>> -> memref<200x64xf32, #tpu.memory_space<hbm>>
    %dma_wait3A_275 = arith.constant 0 : i32
    %dma_wait3A_276 = arith.constant 0 : i32
    %dma_wait3A_277 = tpu.memref_slice %arg6[%dma_wait3A_259, %dma_wait3A_275, %dma_wait3A_276] : memref<4x200x64xf32, #tpu.memory_space<vmem>> -> memref<1x200x64xf32, #tpu.memory_space<vmem>>
    %dma_wait3A_278 = tpu.memref_squeeze %dma_wait3A_277 : memref<1x200x64xf32, #tpu.memory_space<vmem>> -> memref<200x64xf32, #tpu.memory_space<vmem>>
    tpu.wait_dma2 semaphore(%dma_wait3A_270 : memref<!tpu.dma_semaphore, #tpu.memory_space<semaphore_mem>>) src(%dma_wait3A_278 : memref<200x64xf32, #tpu.memory_space<vmem>>) dst(%dma_wait3A_274 : memref<200x64xf32, #tpu.memory_space<hbm>>)
    %add3A_279 = arith.constant 127 : i32
    %add3A_280 = arith.addi %mul3A_2, %add3A_279 : i32
    %dma_wait3A_281 = arith.constant 3 : i32
    %dma_wait3A_282 = arith.constant 3 : i32
    %dma_wait3A_283 = arith.constant 0 : i32
    %dma_wait3A_284 = arith.constant 0 : i32
    %dma_wait3A_285 = tpu.memref_slice %arg6[%dma_wait3A_281, %dma_wait3A_283, %dma_wait3A_284] : memref<4x200x64xf32, #tpu.memory_space<vmem>> -> memref<1x200x64xf32, #tpu.memory_space<vmem>>
    %dma_wait3A_286 = tpu.memref_squeeze %dma_wait3A_285 : memref<1x200x64xf32, #tpu.memory_space<vmem>> -> memref<200x64xf32, #tpu.memory_space<vmem>>
    %dma_wait3A_287 = arith.constant 0 : i32
    %dma_wait3A_288 = arith.constant 0 : i32
    %dma_wait3A_289 = tpu.memref_slice %arg4[%add3A_280, %dma_wait3A_287, %dma_wait3A_288] : memref<4096x200x64xf32, #tpu.memory_space<hbm>> -> memref<1x200x64xf32, #tpu.memory_space<hbm>>
    %dma_wait3A_290 = tpu.memref_squeeze %dma_wait3A_289 : memref<1x200x64xf32, #tpu.memory_space<hbm>> -> memref<200x64xf32, #tpu.memory_space<hbm>>
    %dma_wait3A_291 = tpu.memref_slice %arg8[%dma_wait3A_282] : memref<4x!tpu.dma_semaphore, #tpu.memory_space<semaphore_mem>> -> memref<1x!tpu.dma_semaphore, #tpu.memory_space<semaphore_mem>>
    %dma_wait3A_292 = tpu.memref_squeeze %dma_wait3A_291 : memref<1x!tpu.dma_semaphore, #tpu.memory_space<semaphore_mem>> -> memref<!tpu.dma_semaphore, #tpu.memory_space<semaphore_mem>>
    %dma_wait3A_293 = arith.constant 0 : i32
    %dma_wait3A_294 = arith.constant 0 : i32
    %dma_wait3A_295 = tpu.memref_slice %arg4[%add3A_280, %dma_wait3A_293, %dma_wait3A_294] : memref<4096x200x64xf32, #tpu.memory_space<hbm>> -> memref<1x200x64xf32, #tpu.memory_space<hbm>>
    %dma_wait3A_296 = tpu.memref_squeeze %dma_wait3A_295 : memref<1x200x64xf32, #tpu.memory_space<hbm>> -> memref<200x64xf32, #tpu.memory_space<hbm>>
    %dma_wait3A_297 = arith.constant 0 : i32
    %dma_wait3A_298 = arith.constant 0 : i32
    %dma_wait3A_299 = tpu.memref_slice %arg6[%dma_wait3A_281, %dma_wait3A_297, %dma_wait3A_298] : memref<4x200x64xf32, #tpu.memory_space<vmem>> -> memref<1x200x64xf32, #tpu.memory_space<vmem>>
    %dma_wait3A_300 = tpu.memref_squeeze %dma_wait3A_299 : memref<1x200x64xf32, #tpu.memory_space<vmem>> -> memref<200x64xf32, #tpu.memory_space<vmem>>
    tpu.wait_dma2 semaphore(%dma_wait3A_292 : memref<!tpu.dma_semaphore, #tpu.memory_space<semaphore_mem>>) src(%dma_wait3A_300 : memref<200x64xf32, #tpu.memory_space<vmem>>) dst(%dma_wait3A_296 : memref<200x64xf32, #tpu.memory_space<hbm>>)
    return
  }
}

</mosaic_0001>

<sc_bundles>
// kernel: kernel.3.cloned.1.call-start
scs
__scs_entry_jumppad:
0x0: {  	(pc) =	sbr.rel $0x88, $3  }
0x1: {  	(tag) =	ssettag $0x0;
	lr =	simm.s32 $0x1  }
0x2: {  	[smem:$0x3F9F] =	sst lr;
	_ =	strace $0xD0000000  }
0x3: {  	_ = 	snop  }
0x4: {  	_ = 	snop  }
0x5: {  	_ = 	snop  }
0x6: {  	_ = 	snop  }
0x7: {  	_ = 	snop  }
__scs_overlays_trampoline_lowered:
0x8: {  	[smem:$0x3FAE] =	sst s0  }
0x9: {  	[smem:$0x3FAF] =	sst s1  }
0xa: {  	[smem:$0x3FB0] =	sst s2  }
0xb: {  	[smem:$0x3FB1] =	sst s3  }
0xc: {  	[smem:$0x3FB2] =	sst s4  }
0xd: {  	[smem:$0x3FB3] =	sst s5  }
0xe: {  	[smem:$0x3FB4] =	sst s6  }
0xf: {  	[smem:$0x3FB5] =	sst s7  }
0x10: {  	[smem:$0x3FB6] =	sst s8  }
0x11: {  	[smem:$0x3FB7] =	sst s9;
	s0 =	simm.s32 @!p0 $0x0  }
0x12: {  	s1 =	sld [smem:$0x3F9D];
	s0 =	simm.s32 @p0 $0x1  }
0x13: {  	[smem:$0x3FB8] =	sst s0;
	s0 =	simm.s32 @!p1 $0x0  }
0x14: {  	s2 =	sld [smem:$0x3F9C];
	s0 =	simm.s32 @p1 $0x1  }
0x15: {  	[smem:$0x3FB9] =	sst s0;
	s0 =	simm.s32 @!p2 $0x0  }
0x16: {  	s3 =	sld [smem:$0x3FDB];
	s0 =	simm.s32 @p2 $0x1  }
0x17: {  	s4 =	simm.s32 $0x1BF5;
	[smem:$0x3FBB] =	sst s0  }
0x18: {  	s0 =	sld [smem:$0x3F9E];
	_ =	swait.ge [sflag:s4], $0x0  }
0x19: {  	s7 =	sld [smem:$0x3F9F]  }
0x1a: {  	s8 =	sadd.s32 $0xFFFFE003, lr  }
0x1b: {  	s9 =	sadd.s32 $0xFFFFFEF7, lr;
	s5 =	simm.s32 $0xFFFFFFFF;
	p2 =	slt.u32 s8, $0xFFFFF086  }
0x1c: {  	p1 =	slt.u32 s9, $0xF7A;
	s5 =	simm.s32 @!p2 $0x0  }
0x1d: {  	s5 =	simm.s32 @p1 $0x1;
	p0 =	seq.s32 s7, s2  }
0x1e: {  	s7 =	smul.u32 @!p0 $0xF7A, s2;
	p2 =	seq.s32 @!p0 s5, $0x0  }
0x1f: {  	s9 =	smul.u32 $0xF7A, s1;
	s8 =	simm.s32 @!p0 $0x1BF5;
	p2 =	por !p2, p0  }
0x20: {  	[sflag:s8] =	ssyncset.s32 @!p0 $0xFFFFF086;
	s6 =	sadd.s32 @!p0 s3, s7;
	s7 =	simm.s32 @!p0 $0x108  }
0x21: {  	s3 =	sadd.s32 s3, s9;
	s6 =	sadd.s32 @!p0 $0x88, s6;
	s7 =	simm.s32 @p2 $0x1082  }
0x22: {  	[simem:s7], [sflag:s8] =	dma.local @!p0 [hbm:s6], $0xF7A  }
0x23: {  	s9 =	sor.u32 $0xD0000000, s2;
	s6 =	simm.s32 $0x108;
	_ =	swait.ge @!p0 [sflag:s8], $0x0  }
0x24: {  	s3 =	sadd.s32 $0x88, s3;
	s6 =	simm.s32 @!p1 $0x1082;
	[sflag:s4] =	ssyncset.s32 $0xFFFFF086  }
0x25: {  	[simem:s6], [sflag:s4] =	dma.local [hbm:s3], $0xF7A  }
0x26: {  	[smem:$0x3F9F] =	sst s1;
	(tag) =	ssettag s2;
	_ =	strace s9  }
0x27: {  	s1 =	sld [smem:$0x3FAF]  }
0x28: {  	s2 =	sld [smem:$0x3FB0]  }
0x29: {  	s4 =	sld [smem:$0x3FB2]  }
0x2a: {  	p0 =	seq.s32 s5, $0x0;
	s5 =	sld [smem:$0x3FB3]  }
0x2b: {  	s6 =	sld [smem:$0x3FB4]  }
0x2c: {  	s7 =	sld [smem:$0x3FB5]  }
0x2d: {  	s3 =	simm.s32 $0x108;
	s8 =	sld [smem:$0x3FB6]  }
0x2e: {  	s3 =	simm.s32 @!p0 $0x1082;
	s9 =	sld [smem:$0x3FB7]  }
0x2f: {  	lr =	sadd.s32 s0, s3;
	s0 =	sld [smem:$0x3FAE]  }
0x30: {  	s3 =	sld [smem:$0x3FB1]  }
0x31: {  	[smem:$0x3FBA] =	sst s10  }
0x32: {  	s10 =	sld [smem:$0x3FB8];
	_ =	sdelay $0x3  }
0x33: {  	p0 =	seq.s32 s10, $0x1;
	s10 =	sld [smem:$0x3FBA];
	_ =	sdelay $0x3  }
0x34: {  	[smem:$0x3FBA] =	sst s10  }
0x35: {  	s10 =	sld [smem:$0x3FB9];
	_ =	sdelay $0x3  }
0x36: {  	p1 =	seq.s32 s10, $0x1;
	s10 =	sld [smem:$0x3FBA];
	_ =	sdelay $0x3  }
0x37: {  	[smem:$0x3FBA] =	sst s10  }
0x38: {  	s10 =	sld [smem:$0x3FBB]  }
0x39: {  	_ = 	snop;
	(pc) =	sbr.ind lr, $3  }
0x3a: {  	_ = 	snop  }
0x3b: {  	_ = 	snop  }
0x3c: {  	p2 =	seq.s32 s10, $0x1;
	s10 =	sld [smem:$0x3FBA]  }
0x3d: {  	_ =	shalt  }
0x3e: {  	_ =	shalt  }
0x3f: {  	_ =	shalt  }
0x40: {  	_ =	shalt  }
0x41: {  	_ =	shalt  }
0x42: {  	_ =	shalt  }
0x43: {  	_ =	shalt  }
0x44: {  	_ =	shalt  }
0x45: {  	_ =	shalt  }
0x46: {  	_ =	shalt  }
0x47: {  	_ =	shalt  }
0x48: {  	_ =	shalt  }
0x49: {  	_ =	shalt  }
0x4a: {  	_ =	shalt  }
0x4b: {  	_ =	shalt  }
0x4c: {  	_ =	shalt  }
0x4d: {  	_ =	shalt  }
0x4e: {  	_ =	shalt  }
0x4f: {  	_ =	shalt  }
0x50: {  	_ =	shalt  }
0x51: {  	_ =	shalt  }
0x52: {  	_ =	shalt  }
0x53: {  	_ =	shalt  }
0x54: {  	_ =	shalt  }
0x55: {  	_ =	shalt  }
0x56: {  	_ =	shalt  }
0x57: {  	_ =	shalt  }
0x58: {  	_ =	shalt  }
0x59: {  	_ =	shalt  }
0x5a: {  	_ =	shalt  }
0x5b: {  	_ =	shalt  }
0x5c: {  	_ =	shalt  }
0x5d: {  	_ =	shalt  }
0x5e: {  	_ =	shalt  }
0x5f: {  	_ =	shalt  }
0x60: {  	_ =	shalt  }
0x61: {  	_ =	shalt  }
0x62: {  	_ =	shalt  }
0x63: {  	_ =	shalt  }
0x64: {  	_ =	shalt  }
0x65: {  	_ =	shalt  }
0x66: {  	_ =	shalt  }
0x67: {  	_ =	shalt  }
0x68: {  	_ =	shalt  }
0x69: {  	_ =	shalt  }
0x6a: {  	_ =	shalt  }
0x6b: {  	_ =	shalt  }
0x6c: {  	_ =	shalt  }
0x6d: {  	_ =	shalt  }
0x6e: {  	_ =	shalt  }
0x6f: {  	_ =	shalt  }
0x70: {  	_ =	shalt  }
0x71: {  	_ =	shalt  }
0x72: {  	_ =	shalt  }
0x73: {  	_ =	shalt  }
0x74: {  	_ =	shalt  }
0x75: {  	_ =	shalt  }
0x76: {  	_ =	shalt  }
0x77: {  	_ =	shalt  }
0x78: {  	_ =	shalt  }
0x79: {  	_ =	shalt  }
0x7a: {  	_ =	shalt  }
0x7b: {  	_ =	shalt  }
0x7c: {  	_ =	shalt  }
0x7d: {  	_ =	shalt  }
0x7e: {  	_ =	shalt  }
0x7f: {  	_ =	shalt  }
0x80: {  	_ =	shalt  }
0x81: {  	_ =	shalt  }
0x82: {  	_ =	shalt  }
0x83: {  	_ =	shalt  }
0x84: {  	_ =	shalt  }
0x85: {  	_ =	shalt  }
0x86: {  	_ =	shalt  }
0x87: {  	_ =	shalt  }
.Lfunc_end0:
.L_simem_size_0:
called_computation.1_lowered:
.L_overlay_start_0:
0x88: {  	s2 =	sld [smem:$0x3FD9]  }
0x89: {  	s3 =	sld [smem:$0x3FFE];
	_ =	sdelay $0x1  }
0x8a: {  	s1 =	srdreg.scid  }
0x8b: {  	s0 =	sand.u32 $0x1, s1  }
0x8c: {  	s17 =	sshll.u32 s0, $0xA;
	s2 =	sadd.s32 s3, s2  }
0x8d: {  	s2 =	sadd.s32 s2, s17  }
0x8e: {  	[smem:$0x3FC6] =	sst s2  }
0x8f: {  	_ = 	snop  }
0x90: {  	s2 =	sld [smem:$0x3FD0];
	(tm) =	ssettm $0x1  }
0x91: {  	s18 =	sld [smem:$0x3FFB];
	_ =	sdelay $0x3  }
0x92: {  	_ =	strace s18  }
0x93: {  	s3 =	sld [smem:$0x3FFC];
	_ =	sdelay $0x3  }
0x94: {  	_ =	strace s3  }
0x95: {  	s3 =	sld [smem:$0x3FFD];
	_ =	sdelay $0x3  }
0x96: {  	_ =	strace s3  }
0x97: {  	_ =	strace $0x8FFFFFFF  }
0x98: {  	s19 =	sld [smem:$0x3FDB];
	_ =	sdelay $0x1  }
0x99: {  	s4 =	simm.s32 $_scs_section_size  }
0x9a: {  	s5 =	simm.s32 $_size__tile_overlayer_lowered;
	s6 =	simm.s32 $_tile_overlayer_lowered  }
0x9b: {  	s22 =	simm.s32 $0x1BFF;
	s21 =	sshll.u32 s6, $0x1;
	s3 =	sadd.s32 s4, s19  }
0x9c: {  	s7 =	simm.s32 $0x0;
	s20 =	sshll.u32 s5, $0x1;
	s5 =	sadd.s32 s21, s3  }
0x9d: {  	[timem:s7], [sflag:s22] =	dma.local [hbm:s5], s20  }
0x9e: {  	_ =	swait.ge [sflag:s22], s20  }
0x9f: {  	s4 =	ssub.s32 $0x0, s20;
	[sflag:s22] =	ssyncset.done $0x0  }
0xa0: {  	[sflag:s22] =	ssyncadd.s32 s4;
	_ =	sdelay $0x1  }
0xa1: {  	s23 =	simm.s32 $0x1B8B  }
0xa2: {  	_ =	swait.ge [sflag:s23], $0x1  }
0xa3: {  	[sflag:s23] =	ssyncset.done $0x0  }
0xa4: {  	s25 =	simm.s32 $0x1B8E;
	s24 =	sld [smem:$0x3FFE];
	[sflag:s23] =	ssyncadd.s32 $0xFFFFFFFF  }
0xa5: {  	s26 =	simm.s32 $execute0_lowered;
	[smem:$0x3FD2] =	sst s25  }
0xa6: {  	s5 =	sshll.u32 s26, $0x1;
	_ =	strace $0x80000046;
	[dreg:$0x1] =	wrdreg $0xFFFFFFFF  }
0xa7: {  	s28 =	simm.s32 $_size_execute0_lowered;
	s3 =	sadd.s32 s3, s5;
	[dreg:$0x0] =	wrdreg $0x0  }
0xa8: {  	s5 =	sshll.u32 s28, $0x1;
	[dreg:$0x2] =	wrdreg s3  }
0xa9: {  	[dreg:$0x3] =	wrdreg s5  }
0xaa: {  	[dreg:$0x4] =	wrdreg $0xC0  }
0xab: {  	_ =	task [dreg:s7], $0x5FFFF  }
0xac: {  	[dreg:$0x1] =	wrdreg $0xFFFFFFFF  }
0xad: {  	[dreg:$0x0] =	wrdreg $0x60  }
0xae: {  	[dreg:$0x2] =	wrdreg s24  }
0xaf: {  	[dreg:$0x3] =	wrdreg s2  }
0xb0: {  	[dreg:$0x4] =	wrdreg $0x9  }
0xb1: {  	_ =	task.clear_ibuf [dreg:s7], $0x5FFFF;
	_ =	strace $0x90000046  }
0xb2: {  	s29 =	simm.s32 $0x9;
	_ =	strace $0x80000048  }
0xb3: {  	_ =	swait.ge [sflag:s29], $0x1  }
0xb4: {  	[sflag:s29] =	ssyncadd.s32 $0xFFFFFFFF  }
0xb5: {  	_ =	strace $0x90000048  }
0xb6: {  	_ =	sfence  }
0xb7: {  	s30 =	sld [smem:$0x0];
	_ =	sdelay $0x2  }
0xb8: {  	s31 =	sshll.u32 s1, $0xD;
	s1 =	sshrl.u32 s1, $0x2  }
0xb9: {  	s3 =	sand.u32 $0x4000, s31;
	s1 =	sadd.s32 s1, s30  }
0xba: {  	s0 =	sor.u32 s3, s0;
	s1 =	sshll.u32 s1, $0x11  }
0xbb: {  	s0 =	sor.u32 s1, s0  }
0xbc: {  	s0 =	sadd.s32 $0x8F2B, s0  }
0xbd: {  	[sflag:s0] =	ssyncadd.remote.s32 $0x1  }
0xbe: {  	_ =	sfence.sel $0xFFFF  }
0xbf: {  	[dreg:$0x0] =	wrdreg $0xFFFFFFFF;
	(pc) =	sbr.abs _section_cstart, $3  }
0xc0: {  	[dreg:$0x1] =	wrdreg $0xFFFFFFFF  }
0xc1: {  	_ =	task.clear_ibuf [dreg:s7], $0x2FFFF;
	_ =	strace $0x9FFFFFFF  }
0xc2: {  	(tm) =	ssettm $0x7FFFFFFF  }
0xc3: {  	_ =	shalt  }
tec
execute0_lowered:
.L_overlay_start_1:
0x0: {  	(tag) =	ssettag $0x1  }
0x1: {  	s1 =	srdreg.scid;
	s3 =	rddreg [dreg:$0x0]  }
0x2: {  	s0 =	stileid.u32;
	s8 =	rddreg [dreg:$0x1]  }
0x3: {  	s2 =	simm.s32 $0x0;
	s13 =	simm.s32 $0x6400;
	s14 =	simm.s32 $0x9600  }
0x4: {  	s15 =	simm.s32 $0x1;
	s16 =	simm.s32 $0x2;
	s17 =	simm.s32 $0x190  }
0x5: {  	s18 =	simm.s32 $0xC800;
	s19 =	simm.s32 $0x258;
	s20 =	simm.s32 $0xFA00  }
0x6: {  	s21 =	simm.s32 $0x3;
	s22 =	simm.s32 $0x4;
	s23 =	simm.s32 $0x5  }
0x7: {  	s24 =	simm.s32 $0x6;
	s25 =	simm.s32 $0x7;
	s26 =	simm.s32 $0x8  }
0x8: {  	s28 =	simm.s32 $0x0;
	s6 =	sand.u32 $0x1, s1;
	s4 =	sshll.u32 s0, $0x8  }
0x9: {  	[smem:$0x7FF] =	sst s2;
	s11 =	smul.u32 $0x64000, s0;
	s5 =	sshll.u32 s6, $0x7  }
0xa: {  	s7 =	ssub.s32 $0x2, s6;
	s12 =	smul.u32 $0x32000, s6;
	s4 =	sor.u32 s5, s4  }
0xb: {  	_ =	strace $0x80000047;
	s9 =	sshrl.u32 s7, $0x1;
	s5 =	smul.u32 $0x19, s4  }
0xc: {  	s11 =	sadd.s32 s11, s8;
	s10 =	smul.u32 $0x3200, s4;
	s9 =	ssub.s32 s7, s9  }
0xd: {  	s30 =	smul.u32 $0x640, s4;
	s31 =	sadd.s32 s12, s11;
	s11 =	simm.s32 $0x9  }
0xe: {  	s12 =	simm.s32 $0xC8;
	s9 =	smax.u32 s9, $0x1;
	s5 =	sadd.s32 s5, s3  }
0xf: {  	s10 =	sshrl.u32 s10, $0x3;
	s4 =	sadd.s32 $0xA00, s5;
	s5 =	sadd.s32 s8, s30  }
0x10: {  	s3 =	sadd.s32 $0xF42E00, s3;
	s10 =	sadd.s32 s8, s10;
	s6 =	sadd.s32 $0x640, s5  }
0x11: {  	s7 =	sadd.s32 $0x31380, s10;
	s8 =	sadd.s32 $0x319C0, s10;
	s10 =	sadd.s32 $0x1F40, s31  }
.LBB2_1:
0x12: {  	[tilespmem:s2], [sflag:$0x9] =	stream.linear.gather [hbm4b:s4+s2], $0x6400, $0x38;
	[tilespmem:$0x12C00] =	vst v63  }
0x13: {  	_ =	swait.ge [sflag:s11], $0x6400  }
0x14: {  	[sflag:s11] =	ssyncset.done $0x0  }
0x15: {  	[sflag:s11] =	ssyncadd.s32 $0xFFFF9C00  }
0x16: {  	[tilespmem:s13], [sflag:$0x1] =	stream.indirect.gather [hbm4b:s3+s12], $0x40, s2, s12, $0xb8;
	[tilespmem:$0x12C00] =	vst v63  }
0x17: {  	_ = 	snop  }
0x18: {  	[tilespmem:s14], [sflag:$0x2] =	stream.indirect.gather [hbm4b:s3+s12], $0x40, s12, s12, $0xb8;
	[tilespmem:$0x12C00] =	vst v63  }
0x19: {  	_ =	swait.ge [sflag:s15], $0x3200  }
0x1a: {  	[sflag:s15] =	ssyncset.done $0x0  }
0x1b: {  	[sflag:s15] =	ssyncadd.s32 $0xFFFFCE00  }
0x1c: {  	[hbm4b:s5+s2] =	stream.linear.scatter [tilespmem:s13], [sflag:$0x5], $0x3200, $0x38;
	[tilespmem:$0x12C00] =	vst v63  }
0x1d: {  	_ =	swait.ge [sflag:s16], $0x3200  }
0x1e: {  	[sflag:s16] =	ssyncset.done $0x0  }
0x1f: {  	[sflag:s16] =	ssyncadd.s32 $0xFFFFCE00  }
0x20: {  	[hbm4b:s6+s2] =	stream.linear.scatter [tilespmem:s14], [sflag:$0x6], $0x3200, $0x38;
	[tilespmem:$0x12C00] =	vst v63  }
0x21: {  	_ = 	snop  }
0x22: {  	[tilespmem:s18], [sflag:$0x3] =	stream.indirect.gather [hbm4b:s3+s12], $0x40, s17, s12, $0xb8;
	[tilespmem:$0x12C00] =	vst v63  }
0x23: {  	_ = 	snop  }
0x24: {  	[tilespmem:s20], [sflag:$0x4] =	stream.indirect.gather [hbm4b:s3+s12], $0x40, s19, s12, $0xb8;
	[tilespmem:$0x12C00] =	vst v63  }
0x25: {  	_ =	swait.ge [sflag:s21], $0x3200  }
0x26: {  	[sflag:s21] =	ssyncset.done $0x0  }
0x27: {  	s29 =	sadd.s32 $0xFFFFED40, s10;
	[sflag:s21] =	ssyncadd.s32 $0xFFFFCE00  }
0x28: {  	[hbm4b:s29+s2] =	stream.linear.scatter [tilespmem:s18], [sflag:$0x7], $0x3200, $0x38;
	[tilespmem:$0x12C00] =	vst v63  }
0x29: {  	_ =	swait.ge [sflag:s22], $0x3200  }
0x2a: {  	[sflag:s22] =	ssyncset.done $0x0  }
0x2b: {  	s29 =	sadd.s32 $0xFFFFF380, s10;
	[sflag:s22] =	ssyncadd.s32 $0xFFFFCE00  }
0x2c: {  	[hbm4b:s29+s2] =	stream.linear.scatter [tilespmem:s20], [sflag:$0x8], $0x3200, $0x38;
	[tilespmem:$0x12C00] =	vst v63  }
0x2d: {  	_ =	swait.ge [sflag:s23], $0x3200  }
0x2e: {  	[sflag:s23] =	ssyncset.done $0x0  }
0x2f: {  	s29 =	simm.s32 $0x320;
	[sflag:s23] =	ssyncadd.s32 $0xFFFFCE00  }
0x30: {  	[tilespmem:s13], [sflag:$0x1] =	stream.indirect.gather [hbm4b:s3+s12], $0x40, s29, s12, $0xb8;
	[tilespmem:$0x12C00] =	vst v63  }
0x31: {  	_ =	swait.ge [sflag:s24], $0x3200  }
0x32: {  	[sflag:s24] =	ssyncset.done $0x0  }
0x33: {  	s29 =	simm.s32 $0x3E8;
	[sflag:s24] =	ssyncadd.s32 $0xFFFFCE00  }
0x34: {  	[tilespmem:s14], [sflag:$0x2] =	stream.indirect.gather [hbm4b:s3+s12], $0x40, s29, s12, $0xb8;
	[tilespmem:$0x12C00] =	vst v63  }
0x35: {  	_ =	swait.ge [sflag:s15], $0x3200  }
0x36: {  	[sflag:s15] =	ssyncset.done $0x0  }
0x37: {  	s29 =	sadd.s32 $0xFFFFF9C0, s10;
	[sflag:s15] =	ssyncadd.s32 $0xFFFFCE00  }
0x38: {  	[hbm4b:s29+s2] =	stream.linear.scatter [tilespmem:s13], [sflag:$0x5], $0x3200, $0x38;
	[tilespmem:$0x12C00] =	vst v63  }
0x39: {  	_ =	swait.ge [sflag:s16], $0x3200  }
0x3a: {  	[sflag:s16] =	ssyncset.done $0x0  }
0x3b: {  	[sflag:s16] =	ssyncadd.s32 $0xFFFFCE00  }
0x3c: {  	[hbm4b:s10+s2] =	stream.linear.scatter [tilespmem:s14], [sflag:$0x6], $0x3200, $0x38;
	[tilespmem:$0x12C00] =	vst v63  }
0x3d: {  	_ =	swait.ge [sflag:s25], $0x3200  }
0x3e: {  	[sflag:s25] =	ssyncset.done $0x0  }
0x3f: {  	s29 =	simm.s32 $0x4B0;
	[sflag:s25] =	ssyncadd.s32 $0xFFFFCE00  }
0x40: {  	[tilespmem:s18], [sflag:$0x3] =	stream.indirect.gather [hbm4b:s3+s12], $0x40, s29, s12, $0xb8;
	[tilespmem:$0x12C00] =	vst v63  }
0x41: {  	_ =	swait.ge [sflag:s26], $0x3200  }
0x42: {  	s31 =	simm.s32 $0x578;
	[sflag:s26] =	ssyncset.done $0x0  }
0x43: {  	s30 =	sadd.s32 $0x1900, s10;
	s29 =	simm.s32 $0xC80;
	[sflag:s26] =	ssyncadd.s32 $0xFFFFCE00  }
.LBB2_2:
0x44: {  	[tilespmem:s20], [sflag:$0x4] =	stream.indirect.gather [hbm4b:s3+s12], $0x40, s31, s12, $0xb8;
	[tilespmem:$0x12C00] =	vst v63  }
0x45: {  	s31 =	smov.u32 s29  }
0x46: {  	p0 =	sne.s32 s29, $0x17700;
	s29 =	sadd.s32 $0xC80, s29;
	_ =	swait.ge [sflag:s21], $0x3200  }
0x47: {  	[sflag:s21] =	ssyncset.done $0x0  }
0x48: {  	s1 =	sadd.s32 $0xFFFFED40, s30;
	[sflag:s21] =	ssyncadd.s32 $0xFFFFCE00  }
0x49: {  	[hbm4b:s1+s2] =	stream.linear.scatter [tilespmem:s18], [sflag:$0x7], $0x3200, $0x38;
	[tilespmem:$0x12C00] =	vst v63  }
0x4a: {  	_ =	swait.ge [sflag:s22], $0x3200  }
0x4b: {  	[sflag:s22] =	ssyncset.done $0x0  }
0x4c: {  	s1 =	sadd.s32 $0xFFFFF380, s30;
	[sflag:s22] =	ssyncadd.s32 $0xFFFFCE00  }
0x4d: {  	[hbm4b:s1+s2] =	stream.linear.scatter [tilespmem:s20], [sflag:$0x8], $0x3200, $0x38;
	[tilespmem:$0x12C00] =	vst v63  }
0x4e: {  	_ =	swait.ge [sflag:s23], $0x3200  }
0x4f: {  	s1 =	sshra.s32 s31, $0x2;
	[sflag:s23] =	ssyncset.done $0x0  }
0x50: {  	s31 =	sadd.s32 $0x320, s1;
	[sflag:s23] =	ssyncadd.s32 $0xFFFFCE00  }
0x51: {  	[tilespmem:s13], [sflag:$0x1] =	stream.indirect.gather [hbm4b:s3+s12], $0x40, s31, s12, $0xb8;
	[tilespmem:$0x12C00] =	vst v63  }
0x52: {  	_ =	swait.ge [sflag:s24], $0x3200  }
0x53: {  	[sflag:s24] =	ssyncset.done $0x0  }
0x54: {  	s31 =	sadd.s32 $0x3E8, s1;
	[sflag:s24] =	ssyncadd.s32 $0xFFFFCE00  }
0x55: {  	[tilespmem:s14], [sflag:$0x2] =	stream.indirect.gather [hbm4b:s3+s12], $0x40, s31, s12, $0xb8;
	[tilespmem:$0x12C00] =	vst v63  }
0x56: {  	_ =	swait.ge [sflag:s15], $0x3200  }
0x57: {  	[sflag:s15] =	ssyncset.done $0x0  }
0x58: {  	s31 =	sadd.s32 $0xFFFFF9C0, s30;
	[sflag:s15] =	ssyncadd.s32 $0xFFFFCE00  }
0x59: {  	[hbm4b:s31+s2] =	stream.linear.scatter [tilespmem:s13], [sflag:$0x5], $0x3200, $0x38;
	[tilespmem:$0x12C00] =	vst v63  }
0x5a: {  	_ =	swait.ge [sflag:s16], $0x3200  }
0x5b: {  	[sflag:s16] =	ssyncset.done $0x0  }
0x5c: {  	[sflag:s16] =	ssyncadd.s32 $0xFFFFCE00  }
0x5d: {  	[hbm4b:s30+s2] =	stream.linear.scatter [tilespmem:s14], [sflag:$0x6], $0x3200, $0x38;
	[tilespmem:$0x12C00] =	vst v63  }
0x5e: {  	_ =	swait.ge [sflag:s25], $0x3200  }
0x5f: {  	[sflag:s25] =	ssyncset.done $0x0  }
.Ltmp0:
0x60: {  	s31 =	sadd.s32 $0x4B0, s1;
	[sflag:s25] =	ssyncadd.s32 $0xFFFFCE00;
	(pc) =	sbr.rel @p0 .LBB2_2-.Ltmp0, $4  }
0x61: {  	[tilespmem:s18], [sflag:$0x3] =	stream.indirect.gather [hbm4b:s3+s12], $0x40, s31, s12, $0xb8;
	[tilespmem:$0x12C00] =	vst v63  }
0x62: {  	_ =	swait.ge [sflag:s26], $0x3200  }
0x63: {  	[sflag:s26] =	ssyncset.done $0x0  }
0x64: {  	s30 =	sadd.s32 $0x1900, s30;
	s31 =	sadd.s32 $0x578, s1;
	[sflag:s26] =	ssyncadd.s32 $0xFFFFCE00  }
0x65: {  	[tilespmem:s20], [sflag:$0x4] =	stream.indirect.gather [hbm4b:s3+s12], $0x40, s31, s12, $0xb8;
	[tilespmem:$0x12C00] =	vst v63  }
0x66: {  	_ =	swait.ge [sflag:s21], $0x3200  }
0x67: {  	[sflag:s21] =	ssyncset.done $0x0  }
0x68: {  	[sflag:s21] =	ssyncadd.s32 $0xFFFFCE00  }
0x69: {  	[hbm4b:s7+s2] =	stream.linear.scatter [tilespmem:s18], [sflag:$0x7], $0x3200, $0x38;
	[tilespmem:$0x12C00] =	vst v63  }
0x6a: {  	_ =	swait.ge [sflag:s22], $0x3200  }
0x6b: {  	[sflag:s22] =	ssyncset.done $0x0  }
0x6c: {  	[sflag:s22] =	ssyncadd.s32 $0xFFFFCE00  }
0x6d: {  	[hbm4b:s8+s2] =	stream.linear.scatter [tilespmem:s20], [sflag:$0x8], $0x3200, $0x38;
	[tilespmem:$0x12C00] =	vst v63  }
0x6e: {  	_ =	swait.ge [sflag:s23], $0x3200  }
0x6f: {  	[sflag:s23] =	ssyncset.done $0x0  }
0x70: {  	[sflag:s23] =	ssyncadd.s32 $0xFFFFCE00  }
0x71: {  	_ =	swait.ge [sflag:s24], $0x3200  }
0x72: {  	[sflag:s24] =	ssyncset.done $0x0  }
0x73: {  	s28 =	sadd.s32 $0x1, s28;
	[sflag:s24] =	ssyncadd.s32 $0xFFFFCE00  }
0x74: {  	p0 =	sne.s32 s28, s9;
	_ =	swait.ge [sflag:s25], $0x3200  }
.Ltmp1:
0x75: {  	[sflag:s25] =	ssyncset.done $0x0;
	(pc) =	sbr.rel @p0 .LBB2_1-.Ltmp1, $4  }
0x76: {  	[sflag:s25] =	ssyncadd.s32 $0xFFFFCE00  }
0x77: {  	_ =	swait.ge [sflag:s26], $0x3200  }
0x78: {  	[sflag:s26] =	ssyncset.done $0x0  }
0x79: {  	[sflag:s26] =	ssyncadd.s32 $0xFFFFCE00  }
0x7a: {  	_ =	sfence.sel $0x180000  }
0x7b: {  	[bflag:$0x0] =	sbarrier.arrive $0xFFFF  }
0x7c: {  	_ =	strace $0x90000047  }
0x7d: {  	[bflag:$0x2] =	sbarrier.arrive $0xFFFF  }
0x7e: {  	p0 =	sne.s32 s0, $0x0;
	s0 =	rddreg [dreg:$0x2]  }
0x7f: {  	s0 =	sadd.s32 @!p0 $0x100000, s0  }
0x80: {  	[sflag:s0] =	ssyncadd.tile.s32 @!p0 $0x1;
	_ =	shalt  }
.Lfunc_end2:
_tile_overlayer_lowered:
.L_overlay_start_2:
0x81: {  	(tag) =	ssettag $0x2  }
0x82: {  	s0 =	rddreg [dreg:$0x0];
	s2 =	stileid.u32  }
0x83: {  	s1 =	rddreg [dreg:$0x1];
	p0 =	sne.s32 s2, $0x0  }
0x84: {  	s3 =	rddreg [dreg:$0x2];
	[bflag:$0x3] =	sbarrier.arrive $0xFFFF;
	s2 =	simm.s32 @!p0 $0x1C09  }
0x85: {  	[timem:s3], [sflag:s2] =	dma.local @!p0 [hbm:s0], s1  }
0x86: {  	s0 =	simm.s32 @!p0 $0x9  }
0x87: {  	_ =	swait.ge @!p0 [sflag:s0], s1  }
0x88: {  	s1 =	ssub.s32 @!p0 $0x0, s1;
	[sflag:s0] =	ssyncset.done @!p0 $0x0  }
0x89: {  	[sflag:s0] =	ssyncadd.s32 @!p0 s1  }
0x8a: {  	[bflag:$0x3] =	sbarrier.arrive $0xFFFF  }
0x8b: {  	_ =	shalt  }

// kernel: sparse-core-data-format-call.cloned.1.call-start
scs
called_computation_lowered:
.L_overlay_start_0:
0x0: {  	s2 =	sld [smem:$0x3FD9]  }
0x1: {  	s3 =	sld [smem:$0x3FFE];
	_ =	sdelay $0x1  }
0x2: {  	s1 =	srdreg.scid  }
0x3: {  	s0 =	sand.u32 $0x1, s1  }
0x4: {  	s18 =	sshll.u32 s0, $0xA;
	s2 =	sadd.s32 s3, s2  }
0x5: {  	s2 =	sadd.s32 s2, s18  }
0x6: {  	[smem:$0x3FC6] =	sst s2  }
0x7: {  	_ = 	snop  }
0x8: {  	s2 =	sld [smem:$0x3FD0];
	(tm) =	ssettm $0x1  }
0x9: {  	s19 =	sld [smem:$0x3FFB];
	_ =	sdelay $0x3  }
0xa: {  	_ =	strace s19  }
0xb: {  	s3 =	sld [smem:$0x3FFC];
	_ =	sdelay $0x3  }
0xc: {  	_ =	strace s3  }
0xd: {  	s3 =	sld [smem:$0x3FFD];
	_ =	sdelay $0x3  }
0xe: {  	_ =	strace s3  }
0xf: {  	_ =	strace $0x8FFFFFFF  }
0x10: {  	s20 =	sld [smem:$0x3FDB];
	_ =	sdelay $0x1  }
0x11: {  	s4 =	simm.s32 $_scs_section_size  }
0x12: {  	s5 =	simm.s32 $_size__tile_overlayer_lowered;
	s6 =	simm.s32 $_tile_overlayer_lowered  }
0x13: {  	s23 =	simm.s32 $0x1BFF;
	s22 =	sshll.u32 s6, $0x1;
	s3 =	sadd.s32 s4, s20  }
0x14: {  	s7 =	simm.s32 $0x0;
	s21 =	sshll.u32 s5, $0x1;
	s5 =	sadd.s32 s22, s3  }
0x15: {  	[timem:s7], [sflag:s23] =	dma.local [hbm:s5], s21  }
0x16: {  	_ =	swait.ge [sflag:s23], s21  }
0x17: {  	s4 =	ssub.s32 $0x0, s21;
	[sflag:s23] =	ssyncset.done $0x0  }
0x18: {  	[sflag:s23] =	ssyncadd.s32 s4;
	_ =	sdelay $0x1  }
0x19: {  	s24 =	simm.s32 $0x1B8B  }
0x1a: {  	_ =	swait.ge [sflag:s24], $0x1  }
0x1b: {  	[sflag:s24] =	ssyncset.done $0x0  }
0x1c: {  	s26 =	simm.s32 $0x1B8E;
	s25 =	sld [smem:$0x3FFE];
	[sflag:s24] =	ssyncadd.s32 $0xFFFFFFFF  }
0x1d: {  	s27 =	simm.s32 $execute0_lowered;
	[smem:$0x3FD2] =	sst s26  }
0x1e: {  	s5 =	sshll.u32 s27, $0x1;
	_ =	strace $0x80000049;
	[dreg:$0x1] =	wrdreg $0xFFFFFFFF  }
0x1f: {  	s28 =	simm.s32 $_size_execute0_lowered;
	s3 =	sadd.s32 s3, s5;
	[dreg:$0x0] =	wrdreg $0x0  }
0x20: {  	s5 =	sshll.u32 s28, $0x1;
	[dreg:$0x2] =	wrdreg s3  }
0x21: {  	[dreg:$0x3] =	wrdreg s5  }
0x22: {  	[dreg:$0x4] =	wrdreg $0xC0  }
0x23: {  	_ =	task [dreg:s7], $0x5FFFF  }
0x24: {  	[dreg:$0x1] =	wrdreg $0xFFFFFFFF  }
0x25: {  	[dreg:$0x0] =	wrdreg $0x60  }
0x26: {  	[dreg:$0x2] =	wrdreg s25  }
0x27: {  	[dreg:$0x3] =	wrdreg s2  }
0x28: {  	[dreg:$0x4] =	wrdreg $0x9  }
0x29: {  	_ =	task.clear_ibuf [dreg:s7], $0x5FFFF;
	_ =	strace $0x90000049  }
0x2a: {  	s29 =	simm.s32 $0x9;
	_ =	strace $0x8000004B  }
0x2b: {  	_ =	swait.ge [sflag:s29], $0x1  }
0x2c: {  	[sflag:s29] =	ssyncadd.s32 $0xFFFFFFFF  }
0x2d: {  	_ =	strace $0x9000004B  }
0x2e: {  	_ =	sfence  }
0x2f: {  	s30 =	sld [smem:$0x0];
	_ =	sdelay $0x2  }
0x30: {  	s31 =	sshll.u32 s1, $0xD;
	s1 =	sshrl.u32 s1, $0x2  }
0x31: {  	s3 =	sand.u32 $0x4000, s31;
	s1 =	sadd.s32 s1, s30  }
0x32: {  	s0 =	sor.u32 s3, s0;
	s1 =	sshll.u32 s1, $0x11  }
0x33: {  	s0 =	sor.u32 s1, s0  }
0x34: {  	s0 =	sadd.s32 $0x8F2B, s0  }
0x35: {  	[sflag:s0] =	ssyncadd.remote.s32 $0x1  }
0x36: {  	_ =	sfence.sel $0xFFFF  }
0x37: {  	[dreg:$0x0] =	wrdreg $0xFFFFFFFF;
	(pc) =	sbr.abs _section_cstart, $3  }
0x38: {  	[dreg:$0x1] =	wrdreg $0xFFFFFFFF  }
0x39: {  	_ =	task.clear_ibuf [dreg:s7], $0x2FFFF;
	_ =	strace $0x9FFFFFFF  }
0x3a: {  	(tm) =	ssettm $0x7FFFFFFF  }
0x3b: {  	_ =	shalt  }
tec
execute0_lowered:
.L_overlay_start_1:
0x0: {  	(tag) =	ssettag $0x1  }
0x1: {  	s0 =	srdreg.scid  }
0x2: {  	s1 =	sshll.u32 s0, $0x4  }
0x3: {  	s0 =	stileid.u32;
	s1 =	sand.u32 $0x10, s1  }
0x4: {  	s1 =	sor.u32 s0, s1  }
0x5: {  	s6 =	rddreg [dreg:$0x0];
	s4 =	simm.s32 $0x1;
	s2 =	sshll.u32 s1, $0x7  }
0x6: {  	s7 =	simm.s32 $0x2;
	s12 =	simm.s32 $0x0;
	s1 =	ssub.s32 $0x1000, s2  }
0x7: {  	s8 =	simm.s32 $0x8000;
	s13 =	simm.s32 $0x0;
	s3 =	sand.u32 $0xF80, s1  }
0x8: {  	s9 =	simm.s32 $0x0;
	s5 =	sshrl.u32 s1, $0xC;
	p0 =	sne.s32 s3, $0x0  }
.Ltmp0:
0x9: {  	s1 =	rddreg [dreg:$0x2];
	s4 =	simm.s32 @!p0 $0x0;
	(pc) =	sbr.rel .LBB1_1-.Ltmp0, $4  }
0xa: {  	s11 =	simm.s32 $0x0;
	s3 =	rddreg [dreg:$0x1];
	s5 =	sadd.s32 s4, s5  }
0xb: {  	_ =	strace $0x8000004A;
	s4 =	simm.s32 $0x1;
	s5 =	smul.u32 $0xC8, s5  }
0xc: {  	s6 =	sadd.s32 $0xA00, s6;
	s10 =	smov.u32 s2;
	[sflag:s4] =	ssyncpa.u1 $0x0  }
0xd: {  	p0 =	por $0x0, $0x0;
	[sflag:s7] =	ssyncpa.u1 $0x0;
	s7 =	sor.u32 $0x1, s5  }
.LBB1_4:
0xe: {  	s16 =	sshll.u32 s13, $0x3;
	s17 =	sand.u32 $0x78, s13  }
0xf: {  	s30 =	sand.u32 $0x7E00, s13;
	s12 =	sshll.u32 s12, $0xF;
	s16 =	sand.u32 $0xC00, s16  }
0x10: {  	[tilespmem:s15+$0x810 ss:$0x81] =	vst.msk $0xffff, v2;
	s31 =	sand.u32 $0x7, s13;
	s16 =	sor.u32 s17, s16;
	s17 =	sadd.s32 s3, s30  }
0x11: {  	[tilespmem:s15+$0x1020 ss:$0x81] =	vst.msk $0xffff, v0;
	s13 =	sshll.u32 s31, $0x12;
	s12 =	sadd.s32 s12, s17;
	s16 =	sshrl.u32 s16, $0x3  }
0x12: {  	[tilespmem:s15+$0x0 ss:$0x81] =	vst.msk $0xffff, v1;
	s13 =	sor.u32 $0x400, s13;
	s12 =	sadd.s32 s16, s12  }
0x13: {  	[hbm4b:s12+s13] =	stream.strided.scatter [tilespmem:s14], [sflag:$0x2], $0x2000, s8, s13, $0x20;
	[tilespmem:$0x8080] =	vst v63  }
.LBB1_5:
0x14: {  	s14 =	sadd.s32 $0x1, s9  }
0x15: {  	s12 =	sadd.s32 $0x1000, s10;
	s16 =	smov.u32 s10;
	p2 =	sgt.s32 s14, $0xC7  }
0x16: {  	s16 =	smov.u32 @p2 s12  }
0x17: {  	s14 =	simm.s32 @p2 $0x0;
	p2 =	sgt.s32 s16, $0xFFF  }
0x18: {  	s16 =	smov.u32 @p2 s2;
	p2 =	sne.s32 s11, s7  }
.Ltmp1:
0x19: {  	p1 =	slt.u32 s11, $0x2;
	(pc) =	sbr.rel @!p2 .LBB1_6-.Ltmp1, $4  }
0x1a: {  	s15 =	simm.s32 @!p1 $0x2  }
0x1b: {  	s13 =	smov.u32 s10;
	p0 =	por !p0, !p0;
	_ =	swait.ge @!p1 [sflag:s15], $0x2000  }
0x1c: {  	s12 =	smov.u32 s9;
	[sflag:s15] =	ssyncset.done @!p1 $0x0;
	s9 =	smov.u32 s14  }
0x1d: {  	s11 =	sadd.s32 $0x1, s11;
	[sflag:s15] =	ssyncadd.s32 @!p1 $0xFFFFE000;
	s10 =	smov.u32 s16  }
.LBB1_1:
0x1e: {  	p1 =	sge.u32 s11, s5  }
0x1f: {  	s14 =	sand.u32 @!p1 $0x1FFFFFF, s9  }
0x20: {  	s15 =	smulhi.u32 @!p1 $0x147AE15, s14;
	_ =	sdelay $0x1  }
0x21: {  	s15 =	smul.u32 @!p1 $0xC8, s15  }
0x22: {  	s16 =	sxor.u32 @!p1 $0xFFFFFFFF, s11;
	s17 =	smul.u32 @!p1 $0xC80, s10  }
0x23: {  	s31 =	sadd.s32 $0xFFFFFFFF, s11;
	s16 =	sshll.u32 @!p1 s16, $0xD;
	s14 =	ssub.s32 @!p1 s14, s15  }
0x24: {  	s15 =	sand.u32 @!p1 $0x2000, s16;
	s16 =	sadd.s32 @!p1 s6, s17;
	s14 =	sshll.u32 @!p1 s14, $0x4  }
0x25: {  	s17 =	simm.s32 @!p1 $0x6400;
	s14 =	sadd.s32 @!p1 s14, s16;
	s16 =	simm.s32 @!p1 $0x40  }
0x26: {  	[tilespmem:s15], [sflag:$0x1] =	stream.strided.gather @!p1 [hbm4b:s14+s16], $0x2000, s17, s16, $0x38;
	[tilespmem:$0x8080] =	vst v63  }
0x27: {  	p1 =	sge.u32 s31, s5  }
.Ltmp2:
0x28: {  	_ = 	snop;
	(pc) =	sbr.rel @p1 .LBB1_5-.Ltmp2, $1  }
0x29: {  	_ =	sdelay $0x3  }
0x2a: {  	s14 =	simm.s32 $0x1  }
0x2b: {  	_ =	swait.ge [sflag:s4], $0x2000;
	s14 =	simm.s32 @!p0 $0x0  }
0x2c: {  	[sflag:s4] =	ssyncset.done $0x0;
	s15 =	sshll.u32 s14, $0xD  }
0x2d: {  	[sflag:s4] =	ssyncadd.s32 $0xFFFFE000;
	s18 =	sor.u32 $0x20, s15  }
0x2e: {  	s14 =	smul.u32 $0x8100, s14;
	v3 =	vld [tilespmem:s18+$0x10]  }
0x2f: {  	s30 =	sand.u32 $0x1, s11;
	v2 =	vld [tilespmem:s18+$0xFFFFFFF0]  }
0x30: {  	s15 =	smul.u32 $0x8100, s30;
	s14 =	sshrl.u32 s14, $0x2;
	v0 =	vld [tilespmem:s18+$0x0]  }
0x31: {  	v1 =	vld [tilespmem:s18+$0xFFFFFFE0];
	s16 =	sor.u32 $0x4000, s14  }
0x32: {  	s31 =	sshrl.u32 s15, $0x2;
	s15 =	sadd.s32 $0x0, s16  }
0x33: {  	s17 =	simm.s32 $0x4;
	s18 =	sadd.s32 $0x40, s18;
	s14 =	sor.u32 $0x4000, s31;
	[tilespmem:s15+$0x1830 ss:$0x81] =	vst.msk $0xffff, v3  }
.LBB1_3:
0x34: {  	v3 =	vld [tilespmem:s18+$0x10];
	p1 =	sne.s32 s17, $0x1FC;
	[tilespmem:s15+$0x810 ss:$0x81] =	vst.msk $0xffff, v2;
	s19 =	smov.u32 s17;
	s17 =	sadd.s32 $0x4, s17  }
.Ltmp3:
0x35: {  	v2 =	vld [tilespmem:s18+$0xFFFFFFF0];
	[tilespmem:s15+$0x1020 ss:$0x81] =	vst.msk $0xffff, v0;
	(pc) =	sbr.rel @p1 .LBB1_3-.Ltmp3, $4  }
0x36: {  	v0 =	vld [tilespmem:s18+$0x0];
	[tilespmem:s15+$0x0 ss:$0x81] =	vst.msk $0xffff, v1  }
0x37: {  	s15 =	sshra.s32 s19, $0x2;
	v1 =	vld [tilespmem:s18+$0xFFFFFFE0]  }
0x38: {  	s15 =	sadd.s32 s15, s16  }
0x39: {  	s18 =	sadd.s32 $0x40, s18;
	[tilespmem:s15+$0x1830 ss:$0x81] =	vst.msk $0xffff, v3  }
.Ltmp4:
0x3a: {  	_ = 	snop;
	(pc) =	sbr.rel .LBB1_4-.Ltmp4, $1  }
0x3b: {  	_ =	sdelay $0x3  }
.LBB1_6:
0x3c: {  	_ =	sfence.sel $0x180000  }
0x3d: {  	s2 =	simm.s32 $0x1;
	[bflag:$0x0] =	sbarrier.arrive $0xFFFF  }
0x3e: {  	s31 =	simm.s32 $0x2;
	[sflag:s2] =	ssyncpa.u1 $0x1  }
0x3f: {  	[sflag:s31] =	ssyncpa.u1 $0x1  }
0x40: {  	p0 =	sne.s32 s0, $0x0;
	_ =	strace $0x9000004A  }
0x41: {  	s0 =	sadd.s32 @!p0 $0x100000, s1;
	[bflag:$0x2] =	sbarrier.arrive $0xFFFF  }
0x42: {  	[sflag:s0] =	ssyncadd.tile.s32 @!p0 $0x1;
	_ =	shalt  }
.Lfunc_end1:
_tile_overlayer_lowered:
.L_overlay_start_2:
0x43: {  	(tag) =	ssettag $0x2  }
0x44: {  	s0 =	rddreg [dreg:$0x0];
	s2 =	stileid.u32  }
0x45: {  	s1 =	rddreg [dreg:$0x1];
	p0 =	sne.s32 s2, $0x0  }
0x46: {  	s3 =	rddreg [dreg:$0x2];
	[bflag:$0x3] =	sbarrier.arrive $0xFFFF;
	s2 =	simm.s32 @!p0 $0x1C01  }
0x47: {  	[timem:s3], [sflag:s2] =	dma.local @!p0 [hbm:s0], s1  }
0x48: {  	s0 =	simm.s32 @!p0 $0x1  }
0x49: {  	_ =	swait.ge @!p0 [sflag:s0], s1  }
0x4a: {  	s1 =	ssub.s32 @!p0 $0x0, s1;
	[sflag:s0] =	ssyncset.done @!p0 $0x0  }
0x4b: {  	[sflag:s0] =	ssyncadd.s32 @!p0 s1  }
0x4c: {  	[bflag:$0x3] =	sbarrier.arrive $0xFFFF  }
0x4d: {  	_ =	shalt  }

</sc_bundles>
